<compile_context>
chip_gen: v7x
topology: tpu7x:2x2x1
jax: 0.10.2.dev20260603
libtpu: 0.0.44.dev20260713+nightly
codegen_flags: <defaults>
</compile_context>

<pallas_src>
import jax
import jax.numpy as jnp
from jax import lax
from jax.experimental import pallas as pl
from jax.experimental.pallas import tpu as pltpu
from jax.experimental.pallas import tpu_sc as plsc

N = 100000
E = 6400000
D = 10
H = 32

DH = 8
BLK = 2048
N_PAD = 49 * BLK
ROWS_PER_TILE = N_PAD // 16

CHUNK = 2048
CHUNKS_PER_W = 196
EDGES_PER_W = CHUNKS_PER_W * CHUNK
E_PAD = 16 * EDGES_PER_W


def _make_sc_kernel():
    mesh = plsc.VectorSubcoreMesh(core_axis_name="c", subcore_axis_name="s")

    def body(xph_hbm, src_hbm, dst_hbm, zeros_hbm, out_hbm,
             src_i0, src_i1, src_i2, src_i3, dst_i0, dst_i1, dst_i2, dst_i3,
             rows0, rows1, shared, gsem, ssem, isem):
        c = lax.axis_index("c")
        s = lax.axis_index("s")
        src_i = (src_i0, src_i1, src_i2, src_i3)
        dst_i = (dst_i0, dst_i1, dst_i2, dst_i3)
        rows = (rows0, rows1)

        tz = s * ROWS_PER_TILE
        pltpu.sync_copy(zeros_hbm.at[pl.ds(tz, ROWS_PER_TILE)],
                        shared.at[pl.ds(tz, ROWS_PER_TILE)])
        plsc.subcore_barrier()

        base_e = s * EDGES_PER_W
        xp_c = xph_hbm.at[c]

        def fire_idx(j, q):
            e0 = base_e + j * CHUNK
            pltpu.async_copy(src_hbm.at[pl.ds(e0, CHUNK)], src_i[q], isem)
            pltpu.async_copy(dst_hbm.at[pl.ds(e0, CHUNK)], dst_i[q], isem)

        def wait_idx(j, q):
            e0 = base_e + j * CHUNK
            pltpu.make_async_copy(src_hbm.at[pl.ds(e0, CHUNK)], src_i[q], isem).wait()
            pltpu.make_async_copy(dst_hbm.at[pl.ds(e0, CHUNK)], dst_i[q], isem).wait()

        def fire_gather(b, q):
            pltpu.async_copy(xp_c.at[src_i[q]], rows[b], gsem)

        def wait_gather(b, q):
            pltpu.make_async_copy(xp_c.at[src_i[q]], rows[b], gsem).wait()

        def fire_scatter(b, q):
            pltpu.async_copy(rows[b], shared.at[dst_i[q]], ssem, add=True)

        def wait_scatter(b, q):
            pltpu.make_async_copy(rows[b], shared.at[dst_i[q]], ssem).wait()

        fire_idx(0, 0)
        fire_idx(1, 1)
        wait_idx(0, 0)
        fire_gather(0, 0)

        def sub_step(t, k):
            j = 4 * t + k
            b, nb, q, nq = k % 2, (k + 1) % 2, k, (k + 1) % 4
            first, last = (k == 0), (k == 3)

            def prefetch():
                fire_idx(j + 2, (k + 2) % 4)

            if k >= 2:
                pl.when(t < CHUNKS_PER_W // 4 - 1)(prefetch)
            else:
                prefetch()
            wait_gather(b, q)
            if first:
                pl.when(t > 0)(lambda: wait_scatter(nb, 3))
            else:
                wait_scatter(nb, (k - 1) % 4)

            def launch_next():
                wait_idx(j + 1, nq)
                fire_gather(nb, nq)

            if last:
                pl.when(t < CHUNKS_PER_W // 4 - 1)(launch_next)
            else:
                launch_next()
            fire_scatter(b, q)

        def super_body(t, carry):
            for k in range(4):
                sub_step(t, k)
            return carry

        lax.fori_loop(0, CHUNKS_PER_W // 4, super_body, 0)
        wait_scatter(1, 3)
        plsc.subcore_barrier()

        pltpu.sync_copy(
            shared.at[pl.ds(tz, ROWS_PER_TILE)],
            out_hbm.at[c, pl.ds(tz, ROWS_PER_TILE)],
        )

    return pl.kernel(
        body,
        out_type=jax.ShapeDtypeStruct((2, N_PAD, DH), jnp.float32),
        mesh=mesh,
        compiler_params=pltpu.CompilerParams(use_tc_tiling_on_sc=False),
        scratch_types=(
            [pltpu.VMEM((CHUNK,), jnp.int32)] * 8
            + [pltpu.VMEM((CHUNK, DH), jnp.float32)] * 2
            + [
                pltpu.VMEM_SHARED((N_PAD, DH), jnp.float32),
                pltpu.SemaphoreType.DMA,
                pltpu.SemaphoreType.DMA,
                pltpu.SemaphoreType.DMA,
            ]
        ),
    )


def _tc_body(x_ref, p0_ref, p1_ref, ws_ref, wn_ref, bsn_ref, wa_ref, ba_ref,
             wp_ref, bp_ref, h_ref, ge_ref, act_ref, prim_ref, acc_ref):
    i = pl.program_id(0)

    @pl.when(i == 0)
    def _():
        acc_ref[...] = jnp.zeros_like(acc_ref)

    xb = x_ref[...]
    pb = jnp.concatenate([p0_ref[0], p1_ref[0]], axis=-1)
    cnt = pb[:, 10:11]
    aggb = jnp.where(cnt > 0, pb / jnp.maximum(cnt, 1.0), 0.0)
    z = (jnp.dot(xb, ws_ref[...], preferred_element_type=jnp.float32)
         + jnp.dot(aggb, wn_ref[...], preferred_element_type=jnp.float32)
         + bsn_ref[...])
    row = i * BLK + lax.broadcasted_iota(jnp.int32, (BLK, 1), 0)
    hb = jnp.where(row < N, jnp.maximum(z, 0.0), 0.0)
    h_ref[...] = hb
    acc_ref[...] += jnp.sum(hb, axis=0, keepdims=True)

    @pl.when(i == pl.num_programs(0) - 1)
    def _():
        ge = acc_ref[...] * (1.0 / N)
        ge_ref[...] = ge
        act_ref[...] = (jnp.dot(ge, wa_ref[...], preferred_element_type=jnp.float32)
                        + ba_ref[...])
        prim_ref[...] = (jnp.dot(ge, wp_ref[...], preferred_element_type=jnp.float32)
                        + bp_ref[...])


def _tc_call(x, partials, W_self, W_neigh_pad, b_sn, W_act, b_act, W_prim, b_prim):
    grid = (N_PAD // BLK,)
    return pl.pallas_call(
        _tc_body,
        grid=grid,
        in_specs=[
            pl.BlockSpec((BLK, D), lambda i: (i, 0)),
            pl.BlockSpec((1, BLK, DH), lambda i: (0, i, 0)),
            pl.BlockSpec((1, BLK, DH), lambda i: (1, i, 0)),
            pl.BlockSpec((D, H), lambda i: (0, 0)),
            pl.BlockSpec((16, H), lambda i: (0, 0)),
            pl.BlockSpec((1, H), lambda i: (0, 0)),
            pl.BlockSpec((H, 13), lambda i: (0, 0)),
            pl.BlockSpec((1, 13), lambda i: (0, 0)),
            pl.BlockSpec((H, 8), lambda i: (0, 0)),
            pl.BlockSpec((1, 8), lambda i: (0, 0)),
        ],
        out_specs=[
            pl.BlockSpec((BLK, H), lambda i: (i, 0)),
            pl.BlockSpec((1, H), lambda i: (0, 0)),
            pl.BlockSpec((1, 13), lambda i: (0, 0)),
            pl.BlockSpec((1, 8), lambda i: (0, 0)),
        ],
        out_shape=[
            jax.ShapeDtypeStruct((N, H), jnp.float32),
            jax.ShapeDtypeStruct((1, H), jnp.float32),
            jax.ShapeDtypeStruct((1, 13), jnp.float32),
            jax.ShapeDtypeStruct((1, 8), jnp.float32),
        ],
        scratch_shapes=[pltpu.VMEM((1, H), jnp.float32)],
    )(x, partials, partials, W_self, W_neigh_pad, b_sn, W_act,
      b_act.reshape(1, 13), W_prim, b_prim.reshape(1, 8))


def kernel(x, edge_index, W_self, b_self, W_neigh, b_neigh, W_act, b_act,
           W_prim, b_prim):
    xp0 = jnp.zeros((N_PAD, DH), jnp.float32).at[:N].set(x[:, :DH])
    xp1 = jnp.zeros((N_PAD, DH), jnp.float32)
    xp1 = xp1.at[:N, 0:2].set(x[:, DH:D]).at[:N, 2].set(1.0)
    xph = jnp.stack([xp0, xp1])

    n_extra = E_PAD - E
    pad_idx = N + (jnp.arange(n_extra, dtype=jnp.int32) % (N_PAD - N))
    srcp = jnp.concatenate([edge_index[0], pad_idx])
    dstp = jnp.concatenate([edge_index[1], pad_idx])
    zeros_acc = jnp.zeros((N_PAD, DH), jnp.float32)

    W_neigh_pad = jnp.zeros((16, H), jnp.float32).at[:D].set(W_neigh)
    b_sn = (b_self + b_neigh).reshape(1, H)

    partials = _make_sc_kernel()(xph, srcp, dstp, zeros_acc)

    h, ge, act, prim = _tc_call(x, partials, W_self, W_neigh_pad, b_sn,
                                W_act, b_act, W_prim, b_prim)
    return act, prim, ge, h

# --- scband reference (transcript-rebuilt; emitter-appended) ---
"""Pipeline reference for scband-haemodel-56530359549981 (READ-ONLY COPY).

The authoritative reference and input builder live on the scoring server;
editing this copy changes nothing except your own understanding.
"""

import jax, jax.numpy as jnp
import numpy as np

N = 100000
E = 6400000
D = 10
H = 32
NUM_TOOLS = 13
NUM_PRIMITIVES = 8


def setup_inputs(seed: int = 0) -> dict:
    key = jax.random.key(seed)
    ks = jax.random.split(key, 12)
    x = jax.random.normal(ks[0], (N, D), dtype=jnp.float32)
    edge_index = jax.random.randint(ks[1], (2, E), 0, N, dtype=jnp.int32)
    s1 = 1.0 / np.sqrt(D)
    s2 = 1.0 / np.sqrt(H)
    W_self = jax.random.uniform(ks[2], (D, H), jnp.float32, -s1, s1)
    b_self = jax.random.uniform(ks[3], (H,), jnp.float32, -s1, s1)
    W_neigh = jax.random.uniform(ks[4], (D, H), jnp.float32, -s1, s1)
    b_neigh = jax.random.uniform(ks[5], (H,), jnp.float32, -s1, s1)
    W_act = jax.random.uniform(ks[6], (H, NUM_TOOLS), jnp.float32, -s2, s2)
    b_act = jax.random.uniform(ks[7], (NUM_TOOLS,), jnp.float32, -s2, s2)
    W_prim = jax.random.uniform(ks[8], (H, NUM_PRIMITIVES), jnp.float32, -s2, s2)
    b_prim = jax.random.uniform(ks[9], (NUM_PRIMITIVES,), jnp.float32, -s2, s2)
    return {"x": x, "edge_index": edge_index, "W_self": W_self, "b_self": b_self,
            "W_neigh": W_neigh, "b_neigh": b_neigh, "W_act": W_act, "b_act": b_act,
            "W_prim": W_prim, "b_prim": b_prim}


def reference(x, edge_index, W_self, b_self, W_neigh, b_neigh, W_act, b_act, W_prim, b_prim):
    src = edge_index[0]
    dst = edge_index[1]
    # hand-rolled MEAN aggregation: scatter-add of x[src] into dst buckets
    agg = jax.ops.segment_sum(jnp.take(x, src, axis=0), dst, num_segments=N)
    cnt = jax.ops.segment_sum(jnp.ones((src.shape[0], 1), dtype=x.dtype), dst, num_segments=N)
    agg = jnp.where(cnt > 0, agg / jnp.maximum(cnt, 1.0), jnp.zeros_like(agg))
    out_self = x @ W_self + b_self
    out_neigh = agg @ W_neigh + b_neigh
    h = jax.nn.relu(out_self + out_neigh)  # relu inside _FallbackHAELayer
    h = jax.nn.relu(h)                      # relu in HAEModel.forward
    graph_embed = jnp.mean(h, axis=0, keepdims=True)
    action_logits = graph_embed @ W_act + b_act
    primitive_logits = graph_embed @ W_prim + b_prim
    return (action_logits, primitive_logits, graph_embed, h)

if __name__ == "__main__":
    import jax
    _d = setup_inputs()
    print(jax.jit(kernel)(*tuple(_d.values())))

</pallas_src>

<mosaic_0001>
#map = affine_map<(d0, d1) -> (0, 0, 0)>
#map1 = affine_map<(d0, d1) -> (0)>
#map2 = affine_map<(d0, d1) -> (0, 0)>
module attributes {stable_mosaic.version = 14 : i64} {
  func.func @body(%arg0: i32, %arg1: i32, %arg2: memref<2x100352x8xf32, #tpu.memory_space<hbm>>, %arg3: memref<6422528xi32, #tpu.memory_space<hbm>>, %arg4: memref<6422528xi32, #tpu.memory_space<hbm>>, %arg5: memref<100352x8xf32, #tpu.memory_space<hbm>>, %arg6: memref<2x100352x8xf32, #tpu.memory_space<hbm>>, %arg7: memref<2048xi32, #tpu.memory_space<vmem>>, %arg8: memref<2048xi32, #tpu.memory_space<vmem>>, %arg9: memref<2048xi32, #tpu.memory_space<vmem>>, %arg10: memref<2048xi32, #tpu.memory_space<vmem>>, %arg11: memref<2048xi32, #tpu.memory_space<vmem>>, %arg12: memref<2048xi32, #tpu.memory_space<vmem>>, %arg13: memref<2048xi32, #tpu.memory_space<vmem>>, %arg14: memref<2048xi32, #tpu.memory_space<vmem>>, %arg15: memref<2048x8xf32, #tpu.memory_space<vmem>>, %arg16: memref<2048x8xf32, #tpu.memory_space<vmem>>, %arg17: memref<100352x8xf32, #tpu.memory_space<vmem_shared>>, %arg18: memref<!tpu.dma_semaphore, #tpu.memory_space<semaphore_mem>>, %arg19: memref<!tpu.dma_semaphore, #tpu.memory_space<semaphore_mem>>, %arg20: memref<!tpu.dma_semaphore, #tpu.memory_space<semaphore_mem>>) attributes {dimension_semantics = [#tpu.dimension_semantics<core_parallel>, #tpu.dimension_semantics<subcore_parallel>], iteration_bounds = array<i64: 2, 16>, scalar_prefetch = 0 : i64, scratch_operands = 14 : i64, tpu.core_type = #tpu.core_type<sc_vector_subcore>, window_params = [{transform_indices = #map}, {transform_indices = #map1}, {transform_indices = #map1}, {transform_indices = #map2}, {transform_indices = #map}]} {
    %mul3A = arith.constant 6272 : i32
    %mul3A_0 = arith.muli %arg1, %mul3A : i32
    "tpu.region"() ({
      %run_scoped3A = tpu.sem_alloc : memref<!tpu.dma_semaphore, #tpu.memory_space<semaphore_mem>>
      %dma_start3A_34 = arith.constant 0 : i32
      %dma_start3A_35 = tpu.memref_slice %arg17[%mul3A_0, %dma_start3A_34] : memref<100352x8xf32, #tpu.memory_space<vmem_shared>> -> memref<6272x8xf32, #tpu.memory_space<vmem_shared>>
      %dma_start3A_36 = arith.constant 0 : i32
      %dma_start3A_37 = tpu.memref_slice %arg5[%mul3A_0, %dma_start3A_36] : memref<100352x8xf32, #tpu.memory_space<hbm>> -> memref<6272x8xf32, #tpu.memory_space<hbm>>
      tpu.enqueue_dma source(%dma_start3A_37 : memref<6272x8xf32, #tpu.memory_space<hbm>>) target(%dma_start3A_35 : memref<6272x8xf32, #tpu.memory_space<vmem_shared>>) target_semaphore(%run_scoped3A : memref<!tpu.dma_semaphore, #tpu.memory_space<semaphore_mem>>)
      %dma_wait3A_38 = arith.constant 0 : i32
      %dma_wait3A_39 = tpu.memref_slice %arg17[%mul3A_0, %dma_wait3A_38] : memref<100352x8xf32, #tpu.memory_space<vmem_shared>> -> memref<6272x8xf32, #tpu.memory_space<vmem_shared>>
      %dma_wait3A_40 = arith.constant 0 : i32
      %dma_wait3A_41 = tpu.memref_slice %arg5[%mul3A_0, %dma_wait3A_40] : memref<100352x8xf32, #tpu.memory_space<hbm>> -> memref<6272x8xf32, #tpu.memory_space<hbm>>
      tpu.wait_dma2 semaphore(%run_scoped3A : memref<!tpu.dma_semaphore, #tpu.memory_space<semaphore_mem>>) src(%dma_wait3A_41 : memref<6272x8xf32, #tpu.memory_space<hbm>>) dst(%dma_wait3A_39 : memref<6272x8xf32, #tpu.memory_space<vmem_shared>>)
      tpu.yield
    }) : () -> ()
    %barrier3A = arith.constant 0 : index
    tpu.barrier barrier_id(%barrier3A)
    %mul3A_1 = arith.constant 401408 : i32
    %mul3A_2 = arith.muli %arg1, %mul3A_1 : i32
    %add3A = arith.constant 0 : i32
    %add3A_3 = arith.addi %mul3A_2, %add3A : i32
    %dma_start3A = tpu.memref_slice %arg3[%add3A_3] : memref<6422528xi32, #tpu.memory_space<hbm>> -> memref<2048xi32, #tpu.memory_space<hbm>>
    %dma_start3A_4 = tpu.memref_slice %arg3[%add3A_3] : memref<6422528xi32, #tpu.memory_space<hbm>> -> memref<2048xi32, #tpu.memory_space<hbm>>
    tpu.enqueue_dma source(%dma_start3A_4 : memref<2048xi32, #tpu.memory_space<hbm>>) target(%arg7 : memref<2048xi32, #tpu.memory_space<vmem>>) target_semaphore(%arg20 : memref<!tpu.dma_semaphore, #tpu.memory_space<semaphore_mem>>)
    %dma_start3A_5 = tpu.memref_slice %arg4[%add3A_3] : memref<6422528xi32, #tpu.memory_space<hbm>> -> memref<2048xi32, #tpu.memory_space<hbm>>
    %dma_start3A_6 = tpu.memref_slice %arg4[%add3A_3] : memref<6422528xi32, #tpu.memory_space<hbm>> -> memref<2048xi32, #tpu.memory_space<hbm>>
    tpu.enqueue_dma source(%dma_start3A_6 : memref<2048xi32, #tpu.memory_space<hbm>>) target(%arg11 : memref<2048xi32, #tpu.memory_space<vmem>>) target_semaphore(%arg20 : memref<!tpu.dma_semaphore, #tpu.memory_space<semaphore_mem>>)
    %add3A_7 = arith.constant 2048 : i32
    %add3A_8 = arith.addi %mul3A_2, %add3A_7 : i32
    %dma_start3A_9 = tpu.memref_slice %arg3[%add3A_8] : memref<6422528xi32, #tpu.memory_space<hbm>> -> memref<2048xi32, #tpu.memory_space<hbm>>
    %dma_start3A_10 = tpu.memref_slice %arg3[%add3A_8] : memref<6422528xi32, #tpu.memory_space<hbm>> -> memref<2048xi32, #tpu.memory_space<hbm>>
    tpu.enqueue_dma source(%dma_start3A_10 : memref<2048xi32, #tpu.memory_space<hbm>>) target(%arg8 : memref<2048xi32, #tpu.memory_space<vmem>>) target_semaphore(%arg20 : memref<!tpu.dma_semaphore, #tpu.memory_space<semaphore_mem>>)
    %dma_start3A_11 = tpu.memref_slice %arg4[%add3A_8] : memref<6422528xi32, #tpu.memory_space<hbm>> -> memref<2048xi32, #tpu.memory_space<hbm>>
    %dma_start3A_12 = tpu.memref_slice %arg4[%add3A_8] : memref<6422528xi32, #tpu.memory_space<hbm>> -> memref<2048xi32, #tpu.memory_space<hbm>>
    tpu.enqueue_dma source(%dma_start3A_12 : memref<2048xi32, #tpu.memory_space<hbm>>) target(%arg12 : memref<2048xi32, #tpu.memory_space<vmem>>) target_semaphore(%arg20 : memref<!tpu.dma_semaphore, #tpu.memory_space<semaphore_mem>>)
    %add3A_13 = arith.constant 0 : i32
    %add3A_14 = arith.addi %mul3A_2, %add3A_13 : i32
    %dma_wait3A = tpu.memref_slice %arg3[%add3A_14] : memref<6422528xi32, #tpu.memory_space<hbm>> -> memref<2048xi32, #tpu.memory_space<hbm>>
    %dma_wait3A_15 = tpu.memref_slice %arg3[%add3A_14] : memref<6422528xi32, #tpu.memory_space<hbm>> -> memref<2048xi32, #tpu.memory_space<hbm>>
    tpu.wait_dma2 semaphore(%arg20 : memref<!tpu.dma_semaphore, #tpu.memory_space<semaphore_mem>>) src(%dma_wait3A_15 : memref<2048xi32, #tpu.memory_space<hbm>>) dst(%arg7 : memref<2048xi32, #tpu.memory_space<vmem>>)
    %dma_wait3A_16 = tpu.memref_slice %arg4[%add3A_14] : memref<6422528xi32, #tpu.memory_space<hbm>> -> memref<2048xi32, #tpu.memory_space<hbm>>
    %dma_wait3A_17 = tpu.memref_slice %arg4[%add3A_14] : memref<6422528xi32, #tpu.memory_space<hbm>> -> memref<2048xi32, #tpu.memory_space<hbm>>
    tpu.wait_dma2 semaphore(%arg20 : memref<!tpu.dma_semaphore, #tpu.memory_space<semaphore_mem>>) src(%dma_wait3A_17 : memref<2048xi32, #tpu.memory_space<hbm>>) dst(%arg11 : memref<2048xi32, #tpu.memory_space<vmem>>)
    %dma_start3A_18 = arith.constant 0 : i32
    %dma_start3A_19 = arith.constant 0 : i32
    %dma_start3A_20 = tpu.memref_slice %arg2[%arg0, %dma_start3A_18, %dma_start3A_19] : memref<2x100352x8xf32, #tpu.memory_space<hbm>> -> memref<1x100352x8xf32, #tpu.memory_space<hbm>>
    %dma_start3A_21 = tpu.memref_squeeze %dma_start3A_20 : memref<1x100352x8xf32, #tpu.memory_space<hbm>> -> memref<100352x8xf32, #tpu.memory_space<hbm>>
    %dma_start3A_22 = arith.constant 0 : i32
    %dma_start3A_23 = arith.constant 0 : i32
    %dma_start3A_24 = tpu.memref_slice %dma_start3A_21[%dma_start3A_22, %dma_start3A_23] : memref<100352x8xf32, #tpu.memory_space<hbm>> -> memref<100352x8xf32, #tpu.memory_space<hbm>>
    tpu.enqueue_indirect_dma source(%dma_start3A_24 : memref<100352x8xf32, #tpu.memory_space<hbm>>) target(%arg15 : memref<2048x8xf32, #tpu.memory_space<vmem>>) offsets(%arg7 : memref<2048xi32, #tpu.memory_space<vmem>>) semaphore(%arg18 : memref<!tpu.dma_semaphore, #tpu.memory_space<semaphore_mem>>)
    %scan3A = arith.constant 0 : i32
    %scan3A_25 = arith.constant 0 : i32
    %scan3A_26 = arith.constant 49 : i32
    %scan3A_27 = arith.addi %scan3A_25, %scan3A_26 : i32
    %scan3A_28 = arith.constant 1 : i32
    scf.for %scan3A_34 = %scan3A_25 to %scan3A_27 step %scan3A_28  : i32 {
      %mul3A_35 = arith.constant 4 : i32
      %mul3A_36 = arith.muli %mul3A_35, %scan3A_34 : i32
      %add3A_37 = arith.constant 0 : i32
      %add3A_38 = arith.addi %mul3A_36, %add3A_37 : i32
      %add3A_39 = arith.constant 2 : i32
      %add3A_40 = arith.addi %add3A_38, %add3A_39 : i32
      %mul3A_41 = arith.constant 2048 : i32
      %mul3A_42 = arith.muli %add3A_40, %mul3A_41 : i32
      %add3A_43 = arith.addi %mul3A_2, %mul3A_42 : i32
      %dma_start3A_44 = tpu.memref_slice %arg3[%add3A_43] : memref<6422528xi32, #tpu.memory_space<hbm>> -> memref<2048xi32, #tpu.memory_space<hbm>>
      %dma_start3A_45 = tpu.memref_slice %arg3[%add3A_43] : memref<6422528xi32, #tpu.memory_space<hbm>> -> memref<2048xi32, #tpu.memory_space<hbm>>
      tpu.enqueue_dma source(%dma_start3A_45 : memref<2048xi32, #tpu.memory_space<hbm>>) target(%arg9 : memref<2048xi32, #tpu.memory_space<vmem>>) target_semaphore(%arg20 : memref<!tpu.dma_semaphore, #tpu.memory_space<semaphore_mem>>)
      %dma_start3A_46 = tpu.memref_slice %arg4[%add3A_43] : memref<6422528xi32, #tpu.memory_space<hbm>> -> memref<2048xi32, #tpu.memory_space<hbm>>
      %dma_start3A_47 = tpu.memref_slice %arg4[%add3A_43] : memref<6422528xi32, #tpu.memory_space<hbm>> -> memref<2048xi32, #tpu.memory_space<hbm>>
      tpu.enqueue_dma source(%dma_start3A_47 : memref<2048xi32, #tpu.memory_space<hbm>>) target(%arg13 : memref<2048xi32, #tpu.memory_space<vmem>>) target_semaphore(%arg20 : memref<!tpu.dma_semaphore, #tpu.memory_space<semaphore_mem>>)
      %dma_wait3A_48 = arith.constant 0 : i32
      %dma_wait3A_49 = arith.constant 0 : i32
      %dma_wait3A_50 = tpu.memref_slice %arg2[%arg0, %dma_wait3A_48, %dma_wait3A_49] : memref<2x100352x8xf32, #tpu.memory_space<hbm>> -> memref<1x100352x8xf32, #tpu.memory_space<hbm>>
      %dma_wait3A_51 = tpu.memref_squeeze %dma_wait3A_50 : memref<1x100352x8xf32, #tpu.memory_space<hbm>> -> memref<100352x8xf32, #tpu.memory_space<hbm>>
      %dma_wait3A_52 = arith.constant 0 : i32
      %dma_wait3A_53 = arith.constant 0 : i32
      %dma_wait3A_54 = tpu.memref_slice %dma_wait3A_51[%dma_wait3A_52, %dma_wait3A_53] : memref<100352x8xf32, #tpu.memory_space<hbm>> -> memref<100352x8xf32, #tpu.memory_space<hbm>>
      tpu.wait_indirect_dma semaphore(%arg18 : memref<!tpu.dma_semaphore, #tpu.memory_space<semaphore_mem>>) src(%dma_wait3A_54 : memref<100352x8xf32, #tpu.memory_space<hbm>>) dst(%arg15 : memref<2048x8xf32, #tpu.memory_space<vmem>>)
      %gt3A = arith.constant 0 : i32
      %gt3A_55 = arith.cmpi sgt, %scan3A_34, %gt3A : i32
      %convert_element_type3A = arith.extui %gt3A_55 : i1 to i32
      %cond3A = arith.constant 0 : i32
      %cond3A_56 = arith.cmpi ne, %convert_element_type3A, %cond3A : i32
      scf.if %cond3A_56 {
        %dma_wait3A_182 = arith.constant 0 : i32
        %dma_wait3A_183 = arith.constant 0 : i32
        %dma_wait3A_184 = tpu.memref_slice %arg17[%dma_wait3A_182, %dma_wait3A_183] : memref<100352x8xf32, #tpu.memory_space<vmem_shared>> -> memref<100352x8xf32, #tpu.memory_space<vmem_shared>>
        tpu.wait_indirect_dma semaphore(%arg19 : memref<!tpu.dma_semaphore, #tpu.memory_space<semaphore_mem>>) src(%arg16 : memref<2048x8xf32, #tpu.memory_space<vmem>>) dst(%dma_wait3A_184 : memref<100352x8xf32, #tpu.memory_space<vmem_shared>>)
      } else {
      }
      %add3A_57 = arith.constant 1 : i32
      %add3A_58 = arith.addi %add3A_38, %add3A_57 : i32
      %mul3A_59 = arith.constant 2048 : i32
      %mul3A_60 = arith.muli %add3A_58, %mul3A_59 : i32
      %add3A_61 = arith.addi %mul3A_2, %mul3A_60 : i32
      %dma_wait3A_62 = tpu.memref_slice %arg3[%add3A_61] : memref<6422528xi32, #tpu.memory_space<hbm>> -> memref<2048xi32, #tpu.memory_space<hbm>>
      %dma_wait3A_63 = tpu.memref_slice %arg3[%add3A_61] : memref<6422528xi32, #tpu.memory_space<hbm>> -> memref<2048xi32, #tpu.memory_space<hbm>>
      tpu.wait_dma2 semaphore(%arg20 : memref<!tpu.dma_semaphore, #tpu.memory_space<semaphore_mem>>) src(%dma_wait3A_63 : memref<2048xi32, #tpu.memory_space<hbm>>) dst(%arg8 : memref<2048xi32, #tpu.memory_space<vmem>>)
      %dma_wait3A_64 = tpu.memref_slice %arg4[%add3A_61] : memref<6422528xi32, #tpu.memory_space<hbm>> -> memref<2048xi32, #tpu.memory_space<hbm>>
      %dma_wait3A_65 = tpu.memref_slice %arg4[%add3A_61] : memref<6422528xi32, #tpu.memory_space<hbm>> -> memref<2048xi32, #tpu.memory_space<hbm>>
      tpu.wait_dma2 semaphore(%arg20 : memref<!tpu.dma_semaphore, #tpu.memory_space<semaphore_mem>>) src(%dma_wait3A_65 : memref<2048xi32, #tpu.memory_space<hbm>>) dst(%arg12 : memref<2048xi32, #tpu.memory_space<vmem>>)
      %dma_start3A_66 = arith.constant 0 : i32
      %dma_start3A_67 = arith.constant 0 : i32
      %dma_start3A_68 = tpu.memref_slice %arg2[%arg0, %dma_start3A_66, %dma_start3A_67] : memref<2x100352x8xf32, #tpu.memory_space<hbm>> -> memref<1x100352x8xf32, #tpu.memory_space<hbm>>
      %dma_start3A_69 = tpu.memref_squeeze %dma_start3A_68 : memref<1x100352x8xf32, #tpu.memory_space<hbm>> -> memref<100352x8xf32, #tpu.memory_space<hbm>>
      %dma_start3A_70 = arith.constant 0 : i32
      %dma_start3A_71 = arith.constant 0 : i32
      %dma_start3A_72 = tpu.memref_slice %dma_start3A_69[%dma_start3A_70, %dma_start3A_71] : memref<100352x8xf32, #tpu.memory_space<hbm>> -> memref<100352x8xf32, #tpu.memory_space<hbm>>
      tpu.enqueue_indirect_dma source(%dma_start3A_72 : memref<100352x8xf32, #tpu.memory_space<hbm>>) target(%arg16 : memref<2048x8xf32, #tpu.memory_space<vmem>>) offsets(%arg8 : memref<2048xi32, #tpu.memory_space<vmem>>) semaphore(%arg18 : memref<!tpu.dma_semaphore, #tpu.memory_space<semaphore_mem>>)
      %dma_start3A_73 = arith.constant 0 : i32
      %dma_start3A_74 = arith.constant 0 : i32
      %dma_start3A_75 = tpu.memref_slice %arg17[%dma_start3A_73, %dma_start3A_74] : memref<100352x8xf32, #tpu.memory_space<vmem_shared>> -> memref<100352x8xf32, #tpu.memory_space<vmem_shared>>
      tpu.enqueue_indirect_dma source(%arg15 : memref<2048x8xf32, #tpu.memory_space<vmem>>) target(%dma_start3A_75 : memref<100352x8xf32, #tpu.memory_space<vmem_shared>>) offsets(%arg11 : memref<2048xi32, #tpu.memory_space<vmem>>) semaphore(%arg19 : memref<!tpu.dma_semaphore, #tpu.memory_space<semaphore_mem>>) {add = true}
      %mul3A_76 = arith.constant 4 : i32
      %mul3A_77 = arith.muli %mul3A_76, %scan3A_34 : i32
      %add3A_78 = arith.constant 1 : i32
      %add3A_79 = arith.addi %mul3A_77, %add3A_78 : i32
      %add3A_80 = arith.constant 2 : i32
      %add3A_81 = arith.addi %add3A_79, %add3A_80 : i32
      %mul3A_82 = arith.constant 2048 : i32
      %mul3A_83 = arith.muli %add3A_81, %mul3A_82 : i32
      %add3A_84 = arith.addi %mul3A_2, %mul3A_83 : i32
      %dma_start3A_85 = tpu.memref_slice %arg3[%add3A_84] : memref<6422528xi32, #tpu.memory_space<hbm>> -> memref<2048xi32, #tpu.memory_space<hbm>>
      %dma_start3A_86 = tpu.memref_slice %arg3[%add3A_84] : memref<6422528xi32, #tpu.memory_space<hbm>> -> memref<2048xi32, #tpu.memory_space<hbm>>
      tpu.enqueue_dma source(%dma_start3A_86 : memref<2048xi32, #tpu.memory_space<hbm>>) target(%arg10 : memref<2048xi32, #tpu.memory_space<vmem>>) target_semaphore(%arg20 : memref<!tpu.dma_semaphore, #tpu.memory_space<semaphore_mem>>)
      %dma_start3A_87 = tpu.memref_slice %arg4[%add3A_84] : memref<6422528xi32, #tpu.memory_space<hbm>> -> memref<2048xi32, #tpu.memory_space<hbm>>
      %dma_start3A_88 = tpu.memref_slice %arg4[%add3A_84] : memref<6422528xi32, #tpu.memory_space<hbm>> -> memref<2048xi32, #tpu.memory_space<hbm>>
      tpu.enqueue_dma source(%dma_start3A_88 : memref<2048xi32, #tpu.memory_space<hbm>>) target(%arg14 : memref<2048xi32, #tpu.memory_space<vmem>>) target_semaphore(%arg20 : memref<!tpu.dma_semaphore, #tpu.memory_space<semaphore_mem>>)
      %dma_wait3A_89 = arith.constant 0 : i32
      %dma_wait3A_90 = arith.constant 0 : i32
      %dma_wait3A_91 = tpu.memref_slice %arg2[%arg0, %dma_wait3A_89, %dma_wait3A_90] : memref<2x100352x8xf32, #tpu.memory_space<hbm>> -> memref<1x100352x8xf32, #tpu.memory_space<hbm>>
      %dma_wait3A_92 = tpu.memref_squeeze %dma_wait3A_91 : memref<1x100352x8xf32, #tpu.memory_space<hbm>> -> memref<100352x8xf32, #tpu.memory_space<hbm>>
      %dma_wait3A_93 = arith.constant 0 : i32
      %dma_wait3A_94 = arith.constant 0 : i32
      %dma_wait3A_95 = tpu.memref_slice %dma_wait3A_92[%dma_wait3A_93, %dma_wait3A_94] : memref<100352x8xf32, #tpu.memory_space<hbm>> -> memref<100352x8xf32, #tpu.memory_space<hbm>>
      tpu.wait_indirect_dma semaphore(%arg18 : memref<!tpu.dma_semaphore, #tpu.memory_space<semaphore_mem>>) src(%dma_wait3A_95 : memref<100352x8xf32, #tpu.memory_space<hbm>>) dst(%arg16 : memref<2048x8xf32, #tpu.memory_space<vmem>>)
      %dma_wait3A_96 = arith.constant 0 : i32
      %dma_wait3A_97 = arith.constant 0 : i32
      %dma_wait3A_98 = tpu.memref_slice %arg17[%dma_wait3A_96, %dma_wait3A_97] : memref<100352x8xf32, #tpu.memory_space<vmem_shared>> -> memref<100352x8xf32, #tpu.memory_space<vmem_shared>>
      tpu.wait_indirect_dma semaphore(%arg19 : memref<!tpu.dma_semaphore, #tpu.memory_space<semaphore_mem>>) src(%arg15 : memref<2048x8xf32, #tpu.memory_space<vmem>>) dst(%dma_wait3A_98 : memref<100352x8xf32, #tpu.memory_space<vmem_shared>>)
      %add3A_99 = arith.constant 1 : i32
      %add3A_100 = arith.addi %add3A_79, %add3A_99 : i32
      %mul3A_101 = arith.constant 2048 : i32
      %mul3A_102 = arith.muli %add3A_100, %mul3A_101 : i32
      %add3A_103 = arith.addi %mul3A_2, %mul3A_102 : i32
      %dma_wait3A_104 = tpu.memref_slice %arg3[%add3A_103] : memref<6422528xi32, #tpu.memory_space<hbm>> -> memref<2048xi32, #tpu.memory_space<hbm>>
      %dma_wait3A_105 = tpu.memref_slice %arg3[%add3A_103] : memref<6422528xi32, #tpu.memory_space<hbm>> -> memref<2048xi32, #tpu.memory_space<hbm>>
      tpu.wait_dma2 semaphore(%arg20 : memref<!tpu.dma_semaphore, #tpu.memory_space<semaphore_mem>>) src(%dma_wait3A_105 : memref<2048xi32, #tpu.memory_space<hbm>>) dst(%arg9 : memref<2048xi32, #tpu.memory_space<vmem>>)
      %dma_wait3A_106 = tpu.memref_slice %arg4[%add3A_103] : memref<6422528xi32, #tpu.memory_space<hbm>> -> memref<2048xi32, #tpu.memory_space<hbm>>
      %dma_wait3A_107 = tpu.memref_slice %arg4[%add3A_103] : memref<6422528xi32, #tpu.memory_space<hbm>> -> memref<2048xi32, #tpu.memory_space<hbm>>
      tpu.wait_dma2 semaphore(%arg20 : memref<!tpu.dma_semaphore, #tpu.memory_space<semaphore_mem>>) src(%dma_wait3A_107 : memref<2048xi32, #tpu.memory_space<hbm>>) dst(%arg13 : memref<2048xi32, #tpu.memory_space<vmem>>)
      %dma_start3A_108 = arith.constant 0 : i32
      %dma_start3A_109 = arith.constant 0 : i32
      %dma_start3A_110 = tpu.memref_slice %arg2[%arg0, %dma_start3A_108, %dma_start3A_109] : memref<2x100352x8xf32, #tpu.memory_space<hbm>> -> memref<1x100352x8xf32, #tpu.memory_space<hbm>>
      %dma_start3A_111 = tpu.memref_squeeze %dma_start3A_110 : memref<1x100352x8xf32, #tpu.memory_space<hbm>> -> memref<100352x8xf32, #tpu.memory_space<hbm>>
      %dma_start3A_112 = arith.constant 0 : i32
      %dma_start3A_113 = arith.constant 0 : i32
      %dma_start3A_114 = tpu.memref_slice %dma_start3A_111[%dma_start3A_112, %dma_start3A_113] : memref<100352x8xf32, #tpu.memory_space<hbm>> -> memref<100352x8xf32, #tpu.memory_space<hbm>>
      tpu.enqueue_indirect_dma source(%dma_start3A_114 : memref<100352x8xf32, #tpu.memory_space<hbm>>) target(%arg15 : memref<2048x8xf32, #tpu.memory_space<vmem>>) offsets(%arg9 : memref<2048xi32, #tpu.memory_space<vmem>>) semaphore(%arg18 : memref<!tpu.dma_semaphore, #tpu.memory_space<semaphore_mem>>)
      %dma_start3A_115 = arith.constant 0 : i32
      %dma_start3A_116 = arith.constant 0 : i32
      %dma_start3A_117 = tpu.memref_slice %arg17[%dma_start3A_115, %dma_start3A_116] : memref<100352x8xf32, #tpu.memory_space<vmem_shared>> -> memref<100352x8xf32, #tpu.memory_space<vmem_shared>>
      tpu.enqueue_indirect_dma source(%arg16 : memref<2048x8xf32, #tpu.memory_space<vmem>>) target(%dma_start3A_117 : memref<100352x8xf32, #tpu.memory_space<vmem_shared>>) offsets(%arg12 : memref<2048xi32, #tpu.memory_space<vmem>>) semaphore(%arg19 : memref<!tpu.dma_semaphore, #tpu.memory_space<semaphore_mem>>) {add = true}
      %mul3A_118 = arith.constant 4 : i32
      %mul3A_119 = arith.muli %mul3A_118, %scan3A_34 : i32
      %add3A_120 = arith.constant 2 : i32
      %add3A_121 = arith.addi %mul3A_119, %add3A_120 : i32
      %lt3A = arith.constant 48 : i32
      %lt3A_122 = arith.cmpi slt, %scan3A_34, %lt3A : i32
      %convert_element_type3A_123 = arith.extui %lt3A_122 : i1 to i32
      %cond3A_124 = arith.constant 0 : i32
      %cond3A_125 = arith.cmpi ne, %convert_element_type3A_123, %cond3A_124 : i32
      scf.if %cond3A_125 {
        %add3A_182 = arith.constant 2 : i32
        %add3A_183 = arith.addi %add3A_121, %add3A_182 : i32
        %mul3A_184 = arith.constant 2048 : i32
        %mul3A_185 = arith.muli %add3A_183, %mul3A_184 : i32
        %add3A_186 = arith.addi %mul3A_2, %mul3A_185 : i32
        %dma_start3A_187 = tpu.memref_slice %arg3[%add3A_186] : memref<6422528xi32, #tpu.memory_space<hbm>> -> memref<2048xi32, #tpu.memory_space<hbm>>
        %dma_start3A_188 = tpu.memref_slice %arg3[%add3A_186] : memref<6422528xi32, #tpu.memory_space<hbm>> -> memref<2048xi32, #tpu.memory_space<hbm>>
        tpu.enqueue_dma source(%dma_start3A_188 : memref<2048xi32, #tpu.memory_space<hbm>>) target(%arg7 : memref<2048xi32, #tpu.memory_space<vmem>>) target_semaphore(%arg20 : memref<!tpu.dma_semaphore, #tpu.memory_space<semaphore_mem>>)
        %dma_start3A_189 = tpu.memref_slice %arg4[%add3A_186] : memref<6422528xi32, #tpu.memory_space<hbm>> -> memref<2048xi32, #tpu.memory_space<hbm>>
        %dma_start3A_190 = tpu.memref_slice %arg4[%add3A_186] : memref<6422528xi32, #tpu.memory_space<hbm>> -> memref<2048xi32, #tpu.memory_space<hbm>>
        tpu.enqueue_dma source(%dma_start3A_190 : memref<2048xi32, #tpu.memory_space<hbm>>) target(%arg11 : memref<2048xi32, #tpu.memory_space<vmem>>) target_semaphore(%arg20 : memref<!tpu.dma_semaphore, #tpu.memory_space<semaphore_mem>>)
      } else {
      }
      %dma_wait3A_126 = arith.constant 0 : i32
      %dma_wait3A_127 = arith.constant 0 : i32
      %dma_wait3A_128 = tpu.memref_slice %arg2[%arg0, %dma_wait3A_126, %dma_wait3A_127] : memref<2x100352x8xf32, #tpu.memory_space<hbm>> -> memref<1x100352x8xf32, #tpu.memory_space<hbm>>
      %dma_wait3A_129 = tpu.memref_squeeze %dma_wait3A_128 : memref<1x100352x8xf32, #tpu.memory_space<hbm>> -> memref<100352x8xf32, #tpu.memory_space<hbm>>
      %dma_wait3A_130 = arith.constant 0 : i32
      %dma_wait3A_131 = arith.constant 0 : i32
      %dma_wait3A_132 = tpu.memref_slice %dma_wait3A_129[%dma_wait3A_130, %dma_wait3A_131] : memref<100352x8xf32, #tpu.memory_space<hbm>> -> memref<100352x8xf32, #tpu.memory_space<hbm>>
      tpu.wait_indirect_dma semaphore(%arg18 : memref<!tpu.dma_semaphore, #tpu.memory_space<semaphore_mem>>) src(%dma_wait3A_132 : memref<100352x8xf32, #tpu.memory_space<hbm>>) dst(%arg15 : memref<2048x8xf32, #tpu.memory_space<vmem>>)
      %dma_wait3A_133 = arith.constant 0 : i32
      %dma_wait3A_134 = arith.constant 0 : i32
      %dma_wait3A_135 = tpu.memref_slice %arg17[%dma_wait3A_133, %dma_wait3A_134] : memref<100352x8xf32, #tpu.memory_space<vmem_shared>> -> memref<100352x8xf32, #tpu.memory_space<vmem_shared>>
      tpu.wait_indirect_dma semaphore(%arg19 : memref<!tpu.dma_semaphore, #tpu.memory_space<semaphore_mem>>) src(%arg16 : memref<2048x8xf32, #tpu.memory_space<vmem>>) dst(%dma_wait3A_135 : memref<100352x8xf32, #tpu.memory_space<vmem_shared>>)
      %add3A_136 = arith.constant 1 : i32
      %add3A_137 = arith.addi %add3A_121, %add3A_136 : i32
      %mul3A_138 = arith.constant 2048 : i32
      %mul3A_139 = arith.muli %add3A_137, %mul3A_138 : i32
      %add3A_140 = arith.addi %mul3A_2, %mul3A_139 : i32
      %dma_wait3A_141 = tpu.memref_slice %arg3[%add3A_140] : memref<6422528xi32, #tpu.memory_space<hbm>> -> memref<2048xi32, #tpu.memory_space<hbm>>
      %dma_wait3A_142 = tpu.memref_slice %arg3[%add3A_140] : memref<6422528xi32, #tpu.memory_space<hbm>> -> memref<2048xi32, #tpu.memory_space<hbm>>
      tpu.wait_dma2 semaphore(%arg20 : memref<!tpu.dma_semaphore, #tpu.memory_space<semaphore_mem>>) src(%dma_wait3A_142 : memref<2048xi32, #tpu.memory_space<hbm>>) dst(%arg10 : memref<2048xi32, #tpu.memory_space<vmem>>)
      %dma_wait3A_143 = tpu.memref_slice %arg4[%add3A_140] : memref<6422528xi32, #tpu.memory_space<hbm>> -> memref<2048xi32, #tpu.memory_space<hbm>>
      %dma_wait3A_144 = tpu.memref_slice %arg4[%add3A_140] : memref<6422528xi32, #tpu.memory_space<hbm>> -> memref<2048xi32, #tpu.memory_space<hbm>>
      tpu.wait_dma2 semaphore(%arg20 : memref<!tpu.dma_semaphore, #tpu.memory_space<semaphore_mem>>) src(%dma_wait3A_144 : memref<2048xi32, #tpu.memory_space<hbm>>) dst(%arg14 : memref<2048xi32, #tpu.memory_space<vmem>>)
      %dma_start3A_145 = arith.constant 0 : i32
      %dma_start3A_146 = arith.constant 0 : i32
      %dma_start3A_147 = tpu.memref_slice %arg2[%arg0, %dma_start3A_145, %dma_start3A_146] : memref<2x100352x8xf32, #tpu.memory_space<hbm>> -> memref<1x100352x8xf32, #tpu.memory_space<hbm>>
      %dma_start3A_148 = tpu.memref_squeeze %dma_start3A_147 : memref<1x100352x8xf32, #tpu.memory_space<hbm>> -> memref<100352x8xf32, #tpu.memory_space<hbm>>
      %dma_start3A_149 = arith.constant 0 : i32
      %dma_start3A_150 = arith.constant 0 : i32
      %dma_start3A_151 = tpu.memref_slice %dma_start3A_148[%dma_start3A_149, %dma_start3A_150] : memref<100352x8xf32, #tpu.memory_space<hbm>> -> memref<100352x8xf32, #tpu.memory_space<hbm>>
      tpu.enqueue_indirect_dma source(%dma_start3A_151 : memref<100352x8xf32, #tpu.memory_space<hbm>>) target(%arg16 : memref<2048x8xf32, #tpu.memory_space<vmem>>) offsets(%arg10 : memref<2048xi32, #tpu.memory_space<vmem>>) semaphore(%arg18 : memref<!tpu.dma_semaphore, #tpu.memory_space<semaphore_mem>>)
      %dma_start3A_152 = arith.constant 0 : i32
      %dma_start3A_153 = arith.constant 0 : i32
      %dma_start3A_154 = tpu.memref_slice %arg17[%dma_start3A_152, %dma_start3A_153] : memref<100352x8xf32, #tpu.memory_space<vmem_shared>> -> memref<100352x8xf32, #tpu.memory_space<vmem_shared>>
      tpu.enqueue_indirect_dma source(%arg15 : memref<2048x8xf32, #tpu.memory_space<vmem>>) target(%dma_start3A_154 : memref<100352x8xf32, #tpu.memory_space<vmem_shared>>) offsets(%arg13 : memref<2048xi32, #tpu.memory_space<vmem>>) semaphore(%arg19 : memref<!tpu.dma_semaphore, #tpu.memory_space<semaphore_mem>>) {add = true}
      %mul3A_155 = arith.constant 4 : i32
      %mul3A_156 = arith.muli %mul3A_155, %scan3A_34 : i32
      %add3A_157 = arith.constant 3 : i32
      %add3A_158 = arith.addi %mul3A_156, %add3A_157 : i32
      %lt3A_159 = arith.constant 48 : i32
      %lt3A_160 = arith.cmpi slt, %scan3A_34, %lt3A_159 : i32
      %convert_element_type3A_161 = arith.extui %lt3A_160 : i1 to i32
      %cond3A_162 = arith.constant 0 : i32
      %cond3A_163 = arith.cmpi ne, %convert_element_type3A_161, %cond3A_162 : i32
      scf.if %cond3A_163 {
        %add3A_182 = arith.constant 2 : i32
        %add3A_183 = arith.addi %add3A_158, %add3A_182 : i32
        %mul3A_184 = arith.constant 2048 : i32
        %mul3A_185 = arith.muli %add3A_183, %mul3A_184 : i32
        %add3A_186 = arith.addi %mul3A_2, %mul3A_185 : i32
        %dma_start3A_187 = tpu.memref_slice %arg3[%add3A_186] : memref<6422528xi32, #tpu.memory_space<hbm>> -> memref<2048xi32, #tpu.memory_space<hbm>>
        %dma_start3A_188 = tpu.memref_slice %arg3[%add3A_186] : memref<6422528xi32, #tpu.memory_space<hbm>> -> memref<2048xi32, #tpu.memory_space<hbm>>
        tpu.enqueue_dma source(%dma_start3A_188 : memref<2048xi32, #tpu.memory_space<hbm>>) target(%arg8 : memref<2048xi32, #tpu.memory_space<vmem>>) target_semaphore(%arg20 : memref<!tpu.dma_semaphore, #tpu.memory_space<semaphore_mem>>)
        %dma_start3A_189 = tpu.memref_slice %arg4[%add3A_186] : memref<6422528xi32, #tpu.memory_space<hbm>> -> memref<2048xi32, #tpu.memory_space<hbm>>
        %dma_start3A_190 = tpu.memref_slice %arg4[%add3A_186] : memref<6422528xi32, #tpu.memory_space<hbm>> -> memref<2048xi32, #tpu.memory_space<hbm>>
        tpu.enqueue_dma source(%dma_start3A_190 : memref<2048xi32, #tpu.memory_space<hbm>>) target(%arg12 : memref<2048xi32, #tpu.memory_space<vmem>>) target_semaphore(%arg20 : memref<!tpu.dma_semaphore, #tpu.memory_space<semaphore_mem>>)
      } else {
      }
      %dma_wait3A_164 = arith.constant 0 : i32
      %dma_wait3A_165 = arith.constant 0 : i32
      %dma_wait3A_166 = tpu.memref_slice %arg2[%arg0, %dma_wait3A_164, %dma_wait3A_165] : memref<2x100352x8xf32, #tpu.memory_space<hbm>> -> memref<1x100352x8xf32, #tpu.memory_space<hbm>>
      %dma_wait3A_167 = tpu.memref_squeeze %dma_wait3A_166 : memref<1x100352x8xf32, #tpu.memory_space<hbm>> -> memref<100352x8xf32, #tpu.memory_space<hbm>>
      %dma_wait3A_168 = arith.constant 0 : i32
      %dma_wait3A_169 = arith.constant 0 : i32
      %dma_wait3A_170 = tpu.memref_slice %dma_wait3A_167[%dma_wait3A_168, %dma_wait3A_169] : memref<100352x8xf32, #tpu.memory_space<hbm>> -> memref<100352x8xf32, #tpu.memory_space<hbm>>
      tpu.wait_indirect_dma semaphore(%arg18 : memref<!tpu.dma_semaphore, #tpu.memory_space<semaphore_mem>>) src(%dma_wait3A_170 : memref<100352x8xf32, #tpu.memory_space<hbm>>) dst(%arg16 : memref<2048x8xf32, #tpu.memory_space<vmem>>)
      %dma_wait3A_171 = arith.constant 0 : i32
      %dma_wait3A_172 = arith.constant 0 : i32
      %dma_wait3A_173 = tpu.memref_slice %arg17[%dma_wait3A_171, %dma_wait3A_172] : memref<100352x8xf32, #tpu.memory_space<vmem_shared>> -> memref<100352x8xf32, #tpu.memory_space<vmem_shared>>
      tpu.wait_indirect_dma semaphore(%arg19 : memref<!tpu.dma_semaphore, #tpu.memory_space<semaphore_mem>>) src(%arg15 : memref<2048x8xf32, #tpu.memory_space<vmem>>) dst(%dma_wait3A_173 : memref<100352x8xf32, #tpu.memory_space<vmem_shared>>)
      %lt3A_174 = arith.constant 48 : i32
      %lt3A_175 = arith.cmpi slt, %scan3A_34, %lt3A_174 : i32
      %convert_element_type3A_176 = arith.extui %lt3A_175 : i1 to i32
      %cond3A_177 = arith.constant 0 : i32
      %cond3A_178 = arith.cmpi ne, %convert_element_type3A_176, %cond3A_177 : i32
      scf.if %cond3A_178 {
        %add3A_182 = arith.constant 1 : i32
        %add3A_183 = arith.addi %add3A_158, %add3A_182 : i32
        %mul3A_184 = arith.constant 2048 : i32
        %mul3A_185 = arith.muli %add3A_183, %mul3A_184 : i32
        %add3A_186 = arith.addi %mul3A_2, %mul3A_185 : i32
        %dma_wait3A_187 = tpu.memref_slice %arg3[%add3A_186] : memref<6422528xi32, #tpu.memory_space<hbm>> -> memref<2048xi32, #tpu.memory_space<hbm>>
        %dma_wait3A_188 = tpu.memref_slice %arg3[%add3A_186] : memref<6422528xi32, #tpu.memory_space<hbm>> -> memref<2048xi32, #tpu.memory_space<hbm>>
        tpu.wait_dma2 semaphore(%arg20 : memref<!tpu.dma_semaphore, #tpu.memory_space<semaphore_mem>>) src(%dma_wait3A_188 : memref<2048xi32, #tpu.memory_space<hbm>>) dst(%arg7 : memref<2048xi32, #tpu.memory_space<vmem>>)
        %dma_wait3A_189 = tpu.memref_slice %arg4[%add3A_186] : memref<6422528xi32, #tpu.memory_space<hbm>> -> memref<2048xi32, #tpu.memory_space<hbm>>
        %dma_wait3A_190 = tpu.memref_slice %arg4[%add3A_186] : memref<6422528xi32, #tpu.memory_space<hbm>> -> memref<2048xi32, #tpu.memory_space<hbm>>
        tpu.wait_dma2 semaphore(%arg20 : memref<!tpu.dma_semaphore, #tpu.memory_space<semaphore_mem>>) src(%dma_wait3A_190 : memref<2048xi32, #tpu.memory_space<hbm>>) dst(%arg11 : memref<2048xi32, #tpu.memory_space<vmem>>)
        %dma_start3A_191 = arith.constant 0 : i32
        %dma_start3A_192 = arith.constant 0 : i32
        %dma_start3A_193 = tpu.memref_slice %arg2[%arg0, %dma_start3A_191, %dma_start3A_192] : memref<2x100352x8xf32, #tpu.memory_space<hbm>> -> memref<1x100352x8xf32, #tpu.memory_space<hbm>>
        %dma_start3A_194 = tpu.memref_squeeze %dma_start3A_193 : memref<1x100352x8xf32, #tpu.memory_space<hbm>> -> memref<100352x8xf32, #tpu.memory_space<hbm>>
        %dma_start3A_195 = arith.constant 0 : i32
        %dma_start3A_196 = arith.constant 0 : i32
        %dma_start3A_197 = tpu.memref_slice %dma_start3A_194[%dma_start3A_195, %dma_start3A_196] : memref<100352x8xf32, #tpu.memory_space<hbm>> -> memref<100352x8xf32, #tpu.memory_space<hbm>>
        tpu.enqueue_indirect_dma source(%dma_start3A_197 : memref<100352x8xf32, #tpu.memory_space<hbm>>) target(%arg15 : memref<2048x8xf32, #tpu.memory_space<vmem>>) offsets(%arg7 : memref<2048xi32, #tpu.memory_space<vmem>>) semaphore(%arg18 : memref<!tpu.dma_semaphore, #tpu.memory_space<semaphore_mem>>)
      } else {
      }
      %dma_start3A_179 = arith.constant 0 : i32
      %dma_start3A_180 = arith.constant 0 : i32
      %dma_start3A_181 = tpu.memref_slice %arg17[%dma_start3A_179, %dma_start3A_180] : memref<100352x8xf32, #tpu.memory_space<vmem_shared>> -> memref<100352x8xf32, #tpu.memory_space<vmem_shared>>
      tpu.enqueue_indirect_dma source(%arg16 : memref<2048x8xf32, #tpu.memory_space<vmem>>) target(%dma_start3A_181 : memref<100352x8xf32, #tpu.memory_space<vmem_shared>>) offsets(%arg14 : memref<2048xi32, #tpu.memory_space<vmem>>) semaphore(%arg19 : memref<!tpu.dma_semaphore, #tpu.memory_space<semaphore_mem>>) {add = true}
    }
    %scan3A_29 = arith.constant 49 : i32
    %dma_wait3A_30 = arith.constant 0 : i32
    %dma_wait3A_31 = arith.constant 0 : i32
    %dma_wait3A_32 = tpu.memref_slice %arg17[%dma_wait3A_30, %dma_wait3A_31] : memref<100352x8xf32, #tpu.memory_space<vmem_shared>> -> memref<100352x8xf32, #tpu.memory_space<vmem_shared>>
    tpu.wait_indirect_dma semaphore(%arg19 : memref<!tpu.dma_semaphore, #tpu.memory_space<semaphore_mem>>) src(%arg16 : memref<2048x8xf32, #tpu.memory_space<vmem>>) dst(%dma_wait3A_32 : memref<100352x8xf32, #tpu.memory_space<vmem_shared>>)
    %barrier3A_33 = arith.constant 0 : index
    tpu.barrier barrier_id(%barrier3A_33)
    "tpu.region"() ({
      %run_scoped3A = tpu.sem_alloc : memref<!tpu.dma_semaphore, #tpu.memory_space<semaphore_mem>>
      %dma_start3A_34 = arith.constant 0 : i32
      %dma_start3A_35 = tpu.memref_slice %arg6[%arg0, %mul3A_0, %dma_start3A_34] : memref<2x100352x8xf32, #tpu.memory_space<hbm>> -> memref<1x6272x8xf32, #tpu.memory_space<hbm>>
      %dma_start3A_36 = tpu.memref_squeeze %dma_start3A_35 : memref<1x6272x8xf32, #tpu.memory_space<hbm>> -> memref<6272x8xf32, #tpu.memory_space<hbm>>
      %dma_start3A_37 = arith.constant 0 : i32
      %dma_start3A_38 = tpu.memref_slice %arg17[%mul3A_0, %dma_start3A_37] : memref<100352x8xf32, #tpu.memory_space<vmem_shared>> -> memref<6272x8xf32, #tpu.memory_space<vmem_shared>>
      tpu.enqueue_dma source(%dma_start3A_38 : memref<6272x8xf32, #tpu.memory_space<vmem_shared>>) target(%dma_start3A_36 : memref<6272x8xf32, #tpu.memory_space<hbm>>) target_semaphore(%run_scoped3A : memref<!tpu.dma_semaphore, #tpu.memory_space<semaphore_mem>>)
      %dma_wait3A_39 = arith.constant 0 : i32
      %dma_wait3A_40 = tpu.memref_slice %arg6[%arg0, %mul3A_0, %dma_wait3A_39] : memref<2x100352x8xf32, #tpu.memory_space<hbm>> -> memref<1x6272x8xf32, #tpu.memory_space<hbm>>
      %dma_wait3A_41 = tpu.memref_squeeze %dma_wait3A_40 : memref<1x6272x8xf32, #tpu.memory_space<hbm>> -> memref<6272x8xf32, #tpu.memory_space<hbm>>
      %dma_wait3A_42 = arith.constant 0 : i32
      %dma_wait3A_43 = tpu.memref_slice %arg17[%mul3A_0, %dma_wait3A_42] : memref<100352x8xf32, #tpu.memory_space<vmem_shared>> -> memref<6272x8xf32, #tpu.memory_space<vmem_shared>>
      tpu.wait_dma2 semaphore(%run_scoped3A : memref<!tpu.dma_semaphore, #tpu.memory_space<semaphore_mem>>) src(%dma_wait3A_43 : memref<6272x8xf32, #tpu.memory_space<vmem_shared>>) dst(%dma_wait3A_41 : memref<6272x8xf32, #tpu.memory_space<hbm>>)
      tpu.yield
    }) : () -> ()
    return
  }
}

module attributes {stable_mosaic.version = 14 : i64} {
  func.func @_tc_body(%arg0: i32, %arg1: memref<2048x10xf32, #tpu.memory_space<vmem>>, %arg2: memref<1x2048x8xf32, #tpu.memory_space<vmem>>, %arg3: memref<1x2048x8xf32, #tpu.memory_space<vmem>>, %arg4: memref<10x32xf32, #tpu.memory_space<vmem>>, %arg5: memref<16x32xf32, #tpu.memory_space<vmem>>, %arg6: memref<1x32xf32, #tpu.memory_space<vmem>>, %arg7: memref<32x13xf32, #tpu.memory_space<vmem>>, %arg8: memref<1x13xf32, #tpu.memory_space<vmem>>, %arg9: memref<32x8xf32, #tpu.memory_space<vmem>>, %arg10: memref<1x8xf32, #tpu.memory_space<vmem>>, %arg11: memref<2048x32xf32, #tpu.memory_space<vmem>>, %arg12: memref<1x32xf32, #tpu.memory_space<vmem>>, %arg13: memref<1x13xf32, #tpu.memory_space<vmem>>, %arg14: memref<1x8xf32, #tpu.memory_space<vmem>>, %arg15: memref<1x32xf32, #tpu.memory_space<vmem>>) attributes {dimension_semantics = [#tpu.dimension_semantics<arbitrary>], iteration_bounds = array<i64: 49>, scalar_prefetch = 0 : i64, scratch_operands = 1 : i64, tpu.core_type = #tpu.core_type<tc>, window_params = [{transform_indices = @transform_0, window_bounds = array<i64: 2048, 10>}, {transform_indices = @transform_1, window_bounds = array<i64: 1, 2048, 8>}, {transform_indices = @transform_2, window_bounds = array<i64: 1, 2048, 8>}, {pipeline_mode = #tpu.pipeline_mode<synchronous>, transform_indices = @transform_3, window_bounds = array<i64: 10, 32>}, {pipeline_mode = #tpu.pipeline_mode<synchronous>, transform_indices = @transform_4, window_bounds = array<i64: 16, 32>}, {pipeline_mode = #tpu.pipeline_mode<synchronous>, transform_indices = @transform_5, window_bounds = array<i64: 1, 32>}, {pipeline_mode = #tpu.pipeline_mode<synchronous>, transform_indices = @transform_6, window_bounds = array<i64: 32, 13>}, {pipeline_mode = #tpu.pipeline_mode<synchronous>, transform_indices = @transform_7, window_bounds = array<i64: 1, 13>}, {pipeline_mode = #tpu.pipeline_mode<synchronous>, transform_indices = @transform_8, window_bounds = array<i64: 32, 8>}, {pipeline_mode = #tpu.pipeline_mode<synchronous>, transform_indices = @transform_9, window_bounds = array<i64: 1, 8>}, {transform_indices = @transform_10, window_bounds = array<i64: 2048, 32>}, {pipeline_mode = #tpu.pipeline_mode<synchronous>, transform_indices = @transform_11, window_bounds = array<i64: 1, 32>}, {pipeline_mode = #tpu.pipeline_mode<synchronous>, transform_indices = @transform_12, window_bounds = array<i64: 1, 13>}, {pipeline_mode = #tpu.pipeline_mode<synchronous>, transform_indices = @transform_13, window_bounds = array<i64: 1, 8>}]} {
    %eq3A = arith.constant 0 : i32
    %eq3A_0 = arith.cmpi eq, %arg0, %eq3A : i32
    %convert_element_type3A = arith.extui %eq3A_0 : i1 to i32
    %cond3A = arith.constant 0 : i32
    %cond3A_1 = arith.cmpi ne, %convert_element_type3A, %cond3A : i32
    scf.if %cond3A_1 {
      %broadcast_in_dim3A_64 = arith.constant 0.000000e+00 : f32
      %broadcast_in_dim3A_65 = vector.broadcast %broadcast_in_dim3A_64 : f32 to vector<1x32xf32>
      %swap3A_66 = arith.constant 0 : index
      %swap3A_67 = arith.constant 0 : index
      %swap3A_68 = vector.load %arg15[%swap3A_66, %swap3A_67] : memref<1x32xf32, #tpu.memory_space<vmem>>, vector<1x32xf32>
      tpu.vector_store %arg15[%swap3A_66, %swap3A_67], %broadcast_in_dim3A_65 {strides = array<i32>} : memref<1x32xf32, #tpu.memory_space<vmem>>, vector<1x32xf32>,
    } else {
    }
    %get3A = arith.constant 0 : index
    %get3A_2 = arith.constant 0 : index
    %get3A_3 = vector.load %arg1[%get3A, %get3A_2] : memref<2048x10xf32, #tpu.memory_space<vmem>>, vector<2048x10xf32>
    %get3A_4 = arith.constant 0 : index
    %get3A_5 = arith.constant 0 : index
    %get3A_6 = arith.constant 0 : index
    %get3A_7 = vector.load %arg2[%get3A_4, %get3A_5, %get3A_6] : memref<1x2048x8xf32, #tpu.memory_space<vmem>>, vector<1x2048x8xf32>
    %get3A_8 = vector.shape_cast %get3A_7 : vector<1x2048x8xf32> to vector<2048x8xf32>
    %get3A_9 = arith.constant 0 : index
    %get3A_10 = arith.constant 0 : index
    %get3A_11 = arith.constant 0 : index
    %get3A_12 = vector.load %arg3[%get3A_9, %get3A_10, %get3A_11] : memref<1x2048x8xf32, #tpu.memory_space<vmem>>, vector<1x2048x8xf32>
    %get3A_13 = vector.shape_cast %get3A_12 : vector<1x2048x8xf32> to vector<2048x8xf32>
    %concatenate3A = tpu.concatenate %get3A_8, %get3A_13 in 1 : vector<2048x8xf32>, vector<2048x8xf32> -> vector<2048x16xf32>
    %slice3A = vector.extract_strided_slice %concatenate3A {offsets = [0, 10], sizes = [2048, 1], strides = [1, 1]} : vector<2048x16xf32> to vector<2048x1xf32>
    %gt3A = arith.constant 0.000000e+00 : f32
    %gt3A_14 = vector.broadcast %gt3A : f32 to vector<2048x1xf32>
    %gt3A_15 = arith.cmpf ogt, %slice3A, %gt3A_14 : vector<2048x1xf32>
    %max3A = arith.constant 1.000000e+00 : f32
    %max3A_16 = vector.broadcast %max3A : f32 to vector<2048x1xf32>
    %max3A_17 = arith.maximumf %slice3A, %max3A_16 : vector<2048x1xf32>
    %div3A = vector.broadcast %max3A_17 : vector<2048x1xf32> to vector<2048x16xf32>
    %div3A_18 = arith.divf %concatenate3A, %div3A : vector<2048x16xf32>
    %jit3A = arith.constant 0.000000e+00 : f32
    %broadcast_in_dim3A = vector.shape_cast %gt3A_15 : vector<2048x1xi1> to vector<2048x1xi1>
    %broadcast_in_dim3A_19 = vector.broadcast %broadcast_in_dim3A : vector<2048x1xi1> to vector<2048x16xi1>
    %broadcast_in_dim3A_20 = vector.broadcast %jit3A : f32 to vector<2048x16xf32>
    %select_n3A = arith.select %broadcast_in_dim3A_19, %div3A_18, %broadcast_in_dim3A_20 : vector<2048x16xi1>, vector<2048x16xf32>
    %get3A_21 = arith.constant 0 : index
    %get3A_22 = arith.constant 0 : index
    %get3A_23 = vector.load %arg4[%get3A_21, %get3A_22] : memref<10x32xf32, #tpu.memory_space<vmem>>, vector<10x32xf32>
    %dot_general3A = arith.constant dense<0.000000e+00> : vector<2048x32xf32>
    %dot_general3A_24 = tpu.matmul %get3A_3, %get3A_23, %dot_general3A {dimension_numbers = #tpu.dot_dimension_numbers<[1], [0], [0], [1], [0, 0, 1, 1], [], []>, transpose_lhs_hint = false} : vector<2048x10xf32>, vector<10x32xf32>, vector<2048x32xf32> -> vector<2048x32xf32>
    %get3A_25 = arith.constant 0 : index
    %get3A_26 = arith.constant 0 : index
    %get3A_27 = vector.load %arg5[%get3A_25, %get3A_26] : memref<16x32xf32, #tpu.memory_space<vmem>>, vector<16x32xf32>
    %dot_general3A_28 = arith.constant dense<0.000000e+00> : vector<2048x32xf32>
    %dot_general3A_29 = tpu.matmul %select_n3A, %get3A_27, %dot_general3A_28 {dimension_numbers = #tpu.dot_dimension_numbers<[1], [0], [0], [1], [0, 0, 1, 1], [], []>, transpose_lhs_hint = false} : vector<2048x16xf32>, vector<16x32xf32>, vector<2048x32xf32> -> vector<2048x32xf32>
    %add3A = arith.addf %dot_general3A_24, %dot_general3A_29 : vector<2048x32xf32>
    %get3A_30 = arith.constant 0 : index
    %get3A_31 = arith.constant 0 : index
    %get3A_32 = vector.load %arg6[%get3A_30, %get3A_31] : memref<1x32xf32, #tpu.memory_space<vmem>>, vector<1x32xf32>
    %add3A_33 = vector.broadcast %get3A_32 : vector<1x32xf32> to vector<2048x32xf32>
    %add3A_34 = arith.addf %add3A, %add3A_33 : vector<2048x32xf32>
    %mul3A = arith.constant 2048 : i32
    %mul3A_35 = arith.muli %arg0, %mul3A : i32
    %iota3A = tpu.iota {dimensions = array<i32: 0>} : vector<2048x1xi32>
    %add3A_36 = vector.broadcast %mul3A_35 : i32 to vector<2048x1xi32>
    %add3A_37 = arith.addi %add3A_36, %iota3A : vector<2048x1xi32>
    %lt3A = arith.constant 100000 : i32
    %lt3A_38 = vector.broadcast %lt3A : i32 to vector<2048x1xi32>
    %lt3A_39 = arith.cmpi slt, %add3A_37, %lt3A_38 : vector<2048x1xi32>
    %max3A_40 = arith.constant 0.000000e+00 : f32
    %max3A_41 = vector.broadcast %max3A_40 : f32 to vector<2048x32xf32>
    %max3A_42 = arith.maximumf %add3A_34, %max3A_41 : vector<2048x32xf32>
    %jit3A_43 = arith.constant 0.000000e+00 : f32
    %broadcast_in_dim3A_44 = vector.shape_cast %lt3A_39 : vector<2048x1xi1> to vector<2048x1xi1>
    %broadcast_in_dim3A_45 = vector.broadcast %broadcast_in_dim3A_44 : vector<2048x1xi1> to vector<2048x32xi1>
    %broadcast_in_dim3A_46 = vector.broadcast %jit3A_43 : f32 to vector<2048x32xf32>
    %select_n3A_47 = arith.select %broadcast_in_dim3A_45, %max3A_42, %broadcast_in_dim3A_46 : vector<2048x32xi1>, vector<2048x32xf32>
    %swap3A = arith.constant 0 : index
    %swap3A_48 = arith.constant 0 : index
    %swap3A_49 = vector.load %arg11[%swap3A, %swap3A_48] : memref<2048x32xf32, #tpu.memory_space<vmem>>, vector<2048x32xf32>
    tpu.vector_store %arg11[%swap3A, %swap3A_48], %select_n3A_47 {strides = array<i32>} : memref<2048x32xf32, #tpu.memory_space<vmem>>, vector<2048x32xf32>,
    %get3A_50 = arith.constant 0 : index
    %get3A_51 = arith.constant 0 : index
    %get3A_52 = vector.load %arg15[%get3A_50, %get3A_51] : memref<1x32xf32, #tpu.memory_space<vmem>>, vector<1x32xf32>
    %reduce_sum3A = arith.constant dense<0.000000e+00> : vector<32xf32>
    %reduce_sum3A_53 = vector.multi_reduction <add>, %select_n3A_47, %reduce_sum3A [0] : vector<2048x32xf32> to vector<32xf32>
    %broadcast_in_dim3A_54 = vector.shape_cast %reduce_sum3A_53 : vector<32xf32> to vector<1x32xf32>
    %add3A_55 = arith.addf %get3A_52, %broadcast_in_dim3A_54 : vector<1x32xf32>
    %swap3A_56 = arith.constant 0 : index
    %swap3A_57 = arith.constant 0 : index
    %swap3A_58 = vector.load %arg15[%swap3A_56, %swap3A_57] : memref<1x32xf32, #tpu.memory_space<vmem>>, vector<1x32xf32>
    tpu.vector_store %arg15[%swap3A_56, %swap3A_57], %add3A_55 {strides = array<i32>} : memref<1x32xf32, #tpu.memory_space<vmem>>, vector<1x32xf32>,
    %eq3A_59 = arith.constant 48 : i32
    %eq3A_60 = arith.cmpi eq, %arg0, %eq3A_59 : i32
    %convert_element_type3A_61 = arith.extui %eq3A_60 : i1 to i32
    %cond3A_62 = arith.constant 0 : i32
    %cond3A_63 = arith.cmpi ne, %convert_element_type3A_61, %cond3A_62 : i32
    scf.if %cond3A_63 {
      %get3A_64 = arith.constant 0 : index
      %get3A_65 = arith.constant 0 : index
      %get3A_66 = vector.load %arg15[%get3A_64, %get3A_65] : memref<1x32xf32, #tpu.memory_space<vmem>>, vector<1x32xf32>
      %mul3A_67 = arith.constant 9.99999974E-6 : f32
      %mul3A_68 = vector.broadcast %mul3A_67 : f32 to vector<1x32xf32>
      %mul3A_69 = arith.mulf %get3A_66, %mul3A_68 : vector<1x32xf32>
      %swap3A_70 = arith.constant 0 : index
      %swap3A_71 = arith.constant 0 : index
      %swap3A_72 = vector.load %arg12[%swap3A_70, %swap3A_71] : memref<1x32xf32, #tpu.memory_space<vmem>>, vector<1x32xf32>
      tpu.vector_store %arg12[%swap3A_70, %swap3A_71], %mul3A_69 {strides = array<i32>} : memref<1x32xf32, #tpu.memory_space<vmem>>, vector<1x32xf32>,
      %get3A_73 = arith.constant 0 : index
      %get3A_74 = arith.constant 0 : index
      %get3A_75 = vector.load %arg7[%get3A_73, %get3A_74] : memref<32x13xf32, #tpu.memory_space<vmem>>, vector<32x13xf32>
      %dot_general3A_76 = arith.constant dense<0.000000e+00> : vector<1x13xf32>
      %dot_general3A_77 = tpu.matmul %mul3A_69, %get3A_75, %dot_general3A_76 {dimension_numbers = #tpu.dot_dimension_numbers<[1], [0], [0], [1], [0, 0, 1, 1], [], []>, transpose_lhs_hint = false} : vector<1x32xf32>, vector<32x13xf32>, vector<1x13xf32> -> vector<1x13xf32>
      %get3A_78 = arith.constant 0 : index
      %get3A_79 = arith.constant 0 : index
      %get3A_80 = vector.load %arg8[%get3A_78, %get3A_79] : memref<1x13xf32, #tpu.memory_space<vmem>>, vector<1x13xf32>
      %add3A_81 = arith.addf %dot_general3A_77, %get3A_80 : vector<1x13xf32>
      %swap3A_82 = arith.constant 0 : index
      %swap3A_83 = arith.constant 0 : index
      %swap3A_84 = vector.load %arg13[%swap3A_82, %swap3A_83] : memref<1x13xf32, #tpu.memory_space<vmem>>, vector<1x13xf32>
      tpu.vector_store %arg13[%swap3A_82, %swap3A_83], %add3A_81 {strides = array<i32>} : memref<1x13xf32, #tpu.memory_space<vmem>>, vector<1x13xf32>,
      %get3A_85 = arith.constant 0 : index
      %get3A_86 = arith.constant 0 : index
      %get3A_87 = vector.load %arg9[%get3A_85, %get3A_86] : memref<32x8xf32, #tpu.memory_space<vmem>>, vector<32x8xf32>
      %dot_general3A_88 = arith.constant dense<0.000000e+00> : vector<1x8xf32>
      %dot_general3A_89 = tpu.matmul %mul3A_69, %get3A_87, %dot_general3A_88 {dimension_numbers = #tpu.dot_dimension_numbers<[1], [0], [0], [1], [0, 0, 1, 1], [], []>, transpose_lhs_hint = false} : vector<1x32xf32>, vector<32x8xf32>, vector<1x8xf32> -> vector<1x8xf32>
      %get3A_90 = arith.constant 0 : index
      %get3A_91 = arith.constant 0 : index
      %get3A_92 = vector.load %arg10[%get3A_90, %get3A_91] : memref<1x8xf32, #tpu.memory_space<vmem>>, vector<1x8xf32>
      %add3A_93 = arith.addf %dot_general3A_89, %get3A_92 : vector<1x8xf32>
      %swap3A_94 = arith.constant 0 : index
      %swap3A_95 = arith.constant 0 : index
      %swap3A_96 = vector.load %arg14[%swap3A_94, %swap3A_95] : memref<1x8xf32, #tpu.memory_space<vmem>>, vector<1x8xf32>
      tpu.vector_store %arg14[%swap3A_94, %swap3A_95], %add3A_93 {strides = array<i32>} : memref<1x8xf32, #tpu.memory_space<vmem>>, vector<1x8xf32>,
    } else {
    }
    return
  }
  func.func @transform_0(%arg0: i32) -> (i32, i32) {
    %c0_i32 = arith.constant 0 : i32
    %c0_i32_0 = arith.constant 0 : i32
    return %arg0, %c0_i32 : i32, i32
  }
  func.func @transform_1(%arg0: i32) -> (i32, i32, i32) {
    %c0_i32 = arith.constant 0 : i32
    %c0_i32_0 = arith.constant 0 : i32
    %c0_i32_1 = arith.constant 0 : i32
    return %c0_i32, %arg0, %c0_i32_0 : i32, i32, i32
  }
  func.func @transform_2(%arg0: i32) -> (i32, i32, i32) {
    %c1_i32 = arith.constant 1 : i32
    %c0_i32 = arith.constant 0 : i32
    %c0_i32_0 = arith.constant 0 : i32
    return %c1_i32, %arg0, %c0_i32 : i32, i32, i32
  }
  func.func @transform_3(%arg0: i32) -> (i32, i32) {
    %c0_i32 = arith.constant 0 : i32
    %c0_i32_0 = arith.constant 0 : i32
    %c0_i32_1 = arith.constant 0 : i32
    return %c0_i32, %c0_i32_0 : i32, i32
  }
  func.func @transform_4(%arg0: i32) -> (i32, i32) {
    %c0_i32 = arith.constant 0 : i32
    %c0_i32_0 = arith.constant 0 : i32
    %c0_i32_1 = arith.constant 0 : i32
    return %c0_i32, %c0_i32_0 : i32, i32
  }
  func.func @transform_5(%arg0: i32) -> (i32, i32) {
    %c0_i32 = arith.constant 0 : i32
    %c0_i32_0 = arith.constant 0 : i32
    %c0_i32_1 = arith.constant 0 : i32
    return %c0_i32, %c0_i32_0 : i32, i32
  }
  func.func @transform_6(%arg0: i32) -> (i32, i32) {
    %c0_i32 = arith.constant 0 : i32
    %c0_i32_0 = arith.constant 0 : i32
    %c0_i32_1 = arith.constant 0 : i32
    return %c0_i32, %c0_i32_0 : i32, i32
  }
  func.func @transform_7(%arg0: i32) -> (i32, i32) {
    %c0_i32 = arith.constant 0 : i32
    %c0_i32_0 = arith.constant 0 : i32
    %c0_i32_1 = arith.constant 0 : i32
    return %c0_i32, %c0_i32_0 : i32, i32
  }
  func.func @transform_8(%arg0: i32) -> (i32, i32) {
    %c0_i32 = arith.constant 0 : i32
    %c0_i32_0 = arith.constant 0 : i32
    %c0_i32_1 = arith.constant 0 : i32
    return %c0_i32, %c0_i32_0 : i32, i32
  }
  func.func @transform_9(%arg0: i32) -> (i32, i32) {
    %c0_i32 = arith.constant 0 : i32
    %c0_i32_0 = arith.constant 0 : i32
    %c0_i32_1 = arith.constant 0 : i32
    return %c0_i32, %c0_i32_0 : i32, i32
  }
  func.func @transform_10(%arg0: i32) -> (i32, i32) {
    %c0_i32 = arith.constant 0 : i32
    %c0_i32_0 = arith.constant 0 : i32
    return %arg0, %c0_i32 : i32, i32
  }
  func.func @transform_11(%arg0: i32) -> (i32, i32) {
    %c0_i32 = arith.constant 0 : i32
    %c0_i32_0 = arith.constant 0 : i32
    %c0_i32_1 = arith.constant 0 : i32
    return %c0_i32, %c0_i32_0 : i32, i32
  }
  func.func @transform_12(%arg0: i32) -> (i32, i32) {
    %c0_i32 = arith.constant 0 : i32
    %c0_i32_0 = arith.constant 0 : i32
    %c0_i32_1 = arith.constant 0 : i32
    return %c0_i32, %c0_i32_0 : i32, i32
  }
  func.func @transform_13(%arg0: i32) -> (i32, i32) {
    %c0_i32 = arith.constant 0 : i32
    %c0_i32_0 = arith.constant 0 : i32
    %c0_i32_1 = arith.constant 0 : i32
    return %c0_i32, %c0_i32_0 : i32, i32
  }
}

</mosaic_0001>

<sc_bundles>
// kernel: kernel.4.cloned.1.call-start
scs
__scs_entry_jumppad:
0x0: {  	(pc) =	sbr.rel $0x88, $3  }
0x1: {  	(tag) =	ssettag $0x0;
	lr =	simm.s32 $0x1  }
0x2: {  	[smem:$0x3F97] =	sst lr;
	_ =	strace $0xD0000000  }
0x3: {  	_ = 	snop  }
0x4: {  	_ = 	snop  }
0x5: {  	_ = 	snop  }
0x6: {  	_ = 	snop  }
0x7: {  	_ = 	snop  }
__scs_overlays_trampoline_lowered:
0x8: {  	[smem:$0x3FA6] =	sst s0  }
0x9: {  	[smem:$0x3FA7] =	sst s1  }
0xa: {  	[smem:$0x3FA8] =	sst s2  }
0xb: {  	[smem:$0x3FA9] =	sst s3  }
0xc: {  	[smem:$0x3FAA] =	sst s4  }
0xd: {  	[smem:$0x3FAB] =	sst s5  }
0xe: {  	[smem:$0x3FAC] =	sst s6  }
0xf: {  	[smem:$0x3FAD] =	sst s7  }
0x10: {  	[smem:$0x3FAE] =	sst s8  }
0x11: {  	[smem:$0x3FAF] =	sst s9;
	s0 =	simm.s32 @!p0 $0x0  }
0x12: {  	s1 =	sld [smem:$0x3F95];
	s0 =	simm.s32 @p0 $0x1  }
0x13: {  	[smem:$0x3FB0] =	sst s0;
	s0 =	simm.s32 @!p1 $0x0  }
0x14: {  	s2 =	sld [smem:$0x3F94];
	s0 =	simm.s32 @p1 $0x1  }
0x15: {  	[smem:$0x3FB1] =	sst s0;
	s0 =	simm.s32 @!p2 $0x0  }
0x16: {  	s3 =	sld [smem:$0x3FDB];
	s0 =	simm.s32 @p2 $0x1  }
0x17: {  	s4 =	simm.s32 $0x1BF5;
	[smem:$0x3FB3] =	sst s0  }
0x18: {  	s0 =	sld [smem:$0x3F96];
	_ =	swait.ge [sflag:s4], $0x0  }
0x19: {  	s7 =	sld [smem:$0x3F97]  }
0x1a: {  	s8 =	sadd.s32 $0xFFFFE003, lr  }
0x1b: {  	s9 =	sadd.s32 $0xFFFFFEF7, lr;
	s5 =	simm.s32 $0xFFFFFFFF;
	p2 =	slt.u32 s8, $0xFFFFF086  }
0x1c: {  	p1 =	slt.u32 s9, $0xF7A;
	s5 =	simm.s32 @!p2 $0x0  }
0x1d: {  	s5 =	simm.s32 @p1 $0x1;
	p0 =	seq.s32 s7, s2  }
0x1e: {  	s7 =	smul.u32 @!p0 $0xF7A, s2;
	p2 =	seq.s32 @!p0 s5, $0x0  }
0x1f: {  	s9 =	smul.u32 $0xF7A, s1;
	s8 =	simm.s32 @!p0 $0x1BF5;
	p2 =	por !p2, p0  }
0x20: {  	[sflag:s8] =	ssyncset.s32 @!p0 $0xFFFFF086;
	s6 =	sadd.s32 @!p0 s3, s7;
	s7 =	simm.s32 @!p0 $0x108  }
0x21: {  	s3 =	sadd.s32 s3, s9;
	s6 =	sadd.s32 @!p0 $0x88, s6;
	s7 =	simm.s32 @p2 $0x1082  }
0x22: {  	[simem:s7], [sflag:s8] =	dma.local @!p0 [hbm:s6], $0xF7A  }
0x23: {  	s9 =	sor.u32 $0xD0000000, s2;
	s6 =	simm.s32 $0x108;
	_ =	swait.ge @!p0 [sflag:s8], $0x0  }
0x24: {  	s3 =	sadd.s32 $0x88, s3;
	s6 =	simm.s32 @!p1 $0x1082;
	[sflag:s4] =	ssyncset.s32 $0xFFFFF086  }
0x25: {  	[simem:s6], [sflag:s4] =	dma.local [hbm:s3], $0xF7A  }
0x26: {  	[smem:$0x3F97] =	sst s1;
	(tag) =	ssettag s2;
	_ =	strace s9  }
0x27: {  	s1 =	sld [smem:$0x3FA7]  }
0x28: {  	s2 =	sld [smem:$0x3FA8]  }
0x29: {  	s4 =	sld [smem:$0x3FAA]  }
0x2a: {  	p0 =	seq.s32 s5, $0x0;
	s5 =	sld [smem:$0x3FAB]  }
0x2b: {  	s6 =	sld [smem:$0x3FAC]  }
0x2c: {  	s7 =	sld [smem:$0x3FAD]  }
0x2d: {  	s3 =	simm.s32 $0x108;
	s8 =	sld [smem:$0x3FAE]  }
0x2e: {  	s3 =	simm.s32 @!p0 $0x1082;
	s9 =	sld [smem:$0x3FAF]  }
0x2f: {  	lr =	sadd.s32 s0, s3;
	s0 =	sld [smem:$0x3FA6]  }
0x30: {  	s3 =	sld [smem:$0x3FA9]  }
0x31: {  	[smem:$0x3FB2] =	sst s10  }
0x32: {  	s10 =	sld [smem:$0x3FB0];
	_ =	sdelay $0x3  }
0x33: {  	p0 =	seq.s32 s10, $0x1;
	s10 =	sld [smem:$0x3FB2];
	_ =	sdelay $0x3  }
0x34: {  	[smem:$0x3FB2] =	sst s10  }
0x35: {  	s10 =	sld [smem:$0x3FB1];
	_ =	sdelay $0x3  }
0x36: {  	p1 =	seq.s32 s10, $0x1;
	s10 =	sld [smem:$0x3FB2];
	_ =	sdelay $0x3  }
0x37: {  	[smem:$0x3FB2] =	sst s10  }
0x38: {  	s10 =	sld [smem:$0x3FB3]  }
0x39: {  	_ = 	snop;
	(pc) =	sbr.ind lr, $3  }
0x3a: {  	_ = 	snop  }
0x3b: {  	_ = 	snop  }
0x3c: {  	p2 =	seq.s32 s10, $0x1;
	s10 =	sld [smem:$0x3FB2]  }
0x3d: {  	_ =	shalt  }
0x3e: {  	_ =	shalt  }
0x3f: {  	_ =	shalt  }
0x40: {  	_ =	shalt  }
0x41: {  	_ =	shalt  }
0x42: {  	_ =	shalt  }
0x43: {  	_ =	shalt  }
0x44: {  	_ =	shalt  }
0x45: {  	_ =	shalt  }
0x46: {  	_ =	shalt  }
0x47: {  	_ =	shalt  }
0x48: {  	_ =	shalt  }
0x49: {  	_ =	shalt  }
0x4a: {  	_ =	shalt  }
0x4b: {  	_ =	shalt  }
0x4c: {  	_ =	shalt  }
0x4d: {  	_ =	shalt  }
0x4e: {  	_ =	shalt  }
0x4f: {  	_ =	shalt  }
0x50: {  	_ =	shalt  }
0x51: {  	_ =	shalt  }
0x52: {  	_ =	shalt  }
0x53: {  	_ =	shalt  }
0x54: {  	_ =	shalt  }
0x55: {  	_ =	shalt  }
0x56: {  	_ =	shalt  }
0x57: {  	_ =	shalt  }
0x58: {  	_ =	shalt  }
0x59: {  	_ =	shalt  }
0x5a: {  	_ =	shalt  }
0x5b: {  	_ =	shalt  }
0x5c: {  	_ =	shalt  }
0x5d: {  	_ =	shalt  }
0x5e: {  	_ =	shalt  }
0x5f: {  	_ =	shalt  }
0x60: {  	_ =	shalt  }
0x61: {  	_ =	shalt  }
0x62: {  	_ =	shalt  }
0x63: {  	_ =	shalt  }
0x64: {  	_ =	shalt  }
0x65: {  	_ =	shalt  }
0x66: {  	_ =	shalt  }
0x67: {  	_ =	shalt  }
0x68: {  	_ =	shalt  }
0x69: {  	_ =	shalt  }
0x6a: {  	_ =	shalt  }
0x6b: {  	_ =	shalt  }
0x6c: {  	_ =	shalt  }
0x6d: {  	_ =	shalt  }
0x6e: {  	_ =	shalt  }
0x6f: {  	_ =	shalt  }
0x70: {  	_ =	shalt  }
0x71: {  	_ =	shalt  }
0x72: {  	_ =	shalt  }
0x73: {  	_ =	shalt  }
0x74: {  	_ =	shalt  }
0x75: {  	_ =	shalt  }
0x76: {  	_ =	shalt  }
0x77: {  	_ =	shalt  }
0x78: {  	_ =	shalt  }
0x79: {  	_ =	shalt  }
0x7a: {  	_ =	shalt  }
0x7b: {  	_ =	shalt  }
0x7c: {  	_ =	shalt  }
0x7d: {  	_ =	shalt  }
0x7e: {  	_ =	shalt  }
0x7f: {  	_ =	shalt  }
0x80: {  	_ =	shalt  }
0x81: {  	_ =	shalt  }
0x82: {  	_ =	shalt  }
0x83: {  	_ =	shalt  }
0x84: {  	_ =	shalt  }
0x85: {  	_ =	shalt  }
0x86: {  	_ =	shalt  }
0x87: {  	_ =	shalt  }
.Lfunc_end0:
.L_simem_size_0:
called_computation_lowered:
.L_overlay_start_0:
0x88: {  	s2 =	sld [smem:$0x3FD9]  }
0x89: {  	s3 =	sld [smem:$0x3FFE];
	_ =	sdelay $0x1  }
0x8a: {  	s1 =	srdreg.scid  }
0x8b: {  	s0 =	sand.u32 $0x1, s1  }
0x8c: {  	s14 =	sshll.u32 s0, $0xA;
	s2 =	sadd.s32 s3, s2  }
0x8d: {  	s2 =	sadd.s32 s2, s14  }
0x8e: {  	[smem:$0x3FBE] =	sst s2  }
0x8f: {  	_ = 	snop  }
0x90: {  	s2 =	sld [smem:$0x3FD0];
	_ =	sdelay $0x2  }
0x91: {  	s15 =	simm.s32 $0xA;
	s4 =	simm.s32 $0x10  }
0x92: {  	[smem:s4], [sflag:s15] =	dma.local [hbm:s2], $0x1  }
0x93: {  	_ =	swait.eq [sflag:s15], $0x1  }
0x94: {  	[sflag:s15] =	ssyncset.done $0x0  }
0x95: {  	[sflag:s15] =	ssyncadd.s32 $0xFFFFFFFF  }
0x96: {  	s16 =	sld [smem:$0x13];
	(tm) =	ssettm $0x1  }
0x97: {  	s17 =	sld [smem:$0x3FFB];
	_ =	sdelay $0x3  }
0x98: {  	_ =	strace s17  }
0x99: {  	s3 =	sld [smem:$0x3FFC];
	_ =	sdelay $0x3  }
0x9a: {  	_ =	strace s3  }
0x9b: {  	s3 =	sld [smem:$0x3FFD];
	_ =	sdelay $0x3  }
0x9c: {  	_ =	strace s3  }
0x9d: {  	_ =	strace $0x8FFFFFFF  }
0x9e: {  	s18 =	sld [smem:$0x3FDB];
	_ =	sdelay $0x1  }
0x9f: {  	s19 =	simm.s32 $_scs_section_size  }
0xa0: {  	s5 =	simm.s32 $_size__tile_overlayer_lowered;
	s6 =	simm.s32 $_tile_overlayer_lowered  }
0xa1: {  	s22 =	simm.s32 $0x1BFF;
	s21 =	sshll.u32 s6, $0x1;
	s3 =	sadd.s32 s19, s18  }
0xa2: {  	s7 =	simm.s32 $0x0;
	s20 =	sshll.u32 s5, $0x1;
	s5 =	sadd.s32 s21, s3  }
0xa3: {  	[timem:s7], [sflag:s22] =	dma.local [hbm:s5], s20  }
0xa4: {  	_ =	swait.ge [sflag:s22], s20  }
0xa5: {  	s4 =	ssub.s32 $0x0, s20;
	[sflag:s22] =	ssyncset.done $0x0  }
0xa6: {  	[sflag:s22] =	ssyncadd.s32 s4;
	_ =	sdelay $0x1  }
0xa7: {  	s23 =	simm.s32 $0x1B8B  }
0xa8: {  	_ =	swait.ge [sflag:s23], $0x1  }
0xa9: {  	[sflag:s23] =	ssyncset.done $0x0  }
0xaa: {  	s25 =	simm.s32 $0x1B8E;
	s24 =	sld [smem:$0x3FFE];
	[sflag:s23] =	ssyncadd.s32 $0xFFFFFFFF  }
0xab: {  	s26 =	simm.s32 $execute0_lowered;
	[smem:$0x3FD2] =	sst s25  }
0xac: {  	s5 =	sshll.u32 s26, $0x1;
	_ =	strace $0x80000046;
	[dreg:$0x1] =	wrdreg $0xFFFFFFFF  }
0xad: {  	s28 =	simm.s32 $_size_execute0_lowered;
	s3 =	sadd.s32 s3, s5;
	[dreg:$0x0] =	wrdreg $0x0  }
0xae: {  	s5 =	sshll.u32 s28, $0x1;
	[dreg:$0x2] =	wrdreg s3  }
0xaf: {  	[dreg:$0x3] =	wrdreg s5  }
0xb0: {  	[dreg:$0x4] =	wrdreg $0xC0  }
0xb1: {  	_ =	task [dreg:s7], $0x5FFFF  }
0xb2: {  	[dreg:$0x1] =	wrdreg $0xFFFFFFFF  }
0xb3: {  	[dreg:$0x0] =	wrdreg $0x60  }
0xb4: {  	[dreg:$0x2] =	wrdreg s16  }
0xb5: {  	[dreg:$0x3] =	wrdreg s24  }
0xb6: {  	[dreg:$0x4] =	wrdreg $0xC0000  }
0xb7: {  	[dreg:$0x5] =	wrdreg $0x9  }
0xb8: {  	_ =	task.clear_ibuf [dreg:s7], $0x6FFFF;
	_ =	strace $0x90000046  }
0xb9: {  	s29 =	simm.s32 $0x9;
	_ =	strace $0x80000048  }
0xba: {  	_ =	swait.ge [sflag:s29], $0x1  }
0xbb: {  	[sflag:s29] =	ssyncadd.s32 $0xFFFFFFFF  }
0xbc: {  	_ =	strace $0x90000048  }
0xbd: {  	_ =	sfence  }
0xbe: {  	s30 =	sld [smem:$0x0];
	_ =	sdelay $0x2  }
0xbf: {  	s31 =	sshll.u32 s1, $0xD;
	s1 =	sshrl.u32 s1, $0x2  }
0xc0: {  	s3 =	sand.u32 $0x4000, s31;
	s1 =	sadd.s32 s1, s30  }
0xc1: {  	s0 =	sor.u32 s3, s0;
	s1 =	sshll.u32 s1, $0x11  }
0xc2: {  	s0 =	sor.u32 s1, s0  }
0xc3: {  	s0 =	sadd.s32 $0x8F2B, s0  }
0xc4: {  	[sflag:s0] =	ssyncadd.remote.s32 $0x1  }
0xc5: {  	_ =	sfence.sel $0xFFFF  }
0xc6: {  	[dreg:$0x0] =	wrdreg $0xFFFFFFFF;
	(pc) =	sbr.abs _section_cstart, $3  }
0xc7: {  	[dreg:$0x1] =	wrdreg $0xFFFFFFFF  }
0xc8: {  	_ =	task.clear_ibuf [dreg:s7], $0x2FFFF;
	_ =	strace $0x9FFFFFFF  }
0xc9: {  	(tm) =	ssettm $0x7FFFFFFF  }
tec
execute0_lowered:
.L_overlay_start_1:
0x0: {  	(tag) =	ssettag $0x1  }
0x1: {  	s0 =	rddreg [dreg:$0x0]  }
0x2: {  	s1 =	rddreg [dreg:$0x1]  }
0x3: {  	s2 =	rddreg [dreg:$0x2]  }
0x4: {  	s3 =	simm.s32 $0x0;
	s10 =	stileid.u32;
	s4 =	srdreg.scid  }
0x5: {  	s17 =	simm.s32 $0x2000;
	s18 =	simm.s32 $0x800;
	s19 =	simm.s32 $0x2800  }
0x6: {  	s20 =	simm.s32 $0x3;
	s21 =	simm.s32 $0x4000;
	s28 =	simm.s32 $0x3800  }
0x7: {  	s29 =	simm.s32 $0x2;
	s30 =	simm.s32 $0x0;
	[smem:$0x7FF] =	sst s3  }
0x8: {  	s14 =	smul.u32 $0xC400, s10;
	s4 =	sand.u32 $0x1, s4;
	s15 =	sadd.s32 $0x189800, s1  }
0x9: {  	s13 =	sadd.s32 $0xC5800, s1;
	s8 =	smul.u32 $0x62000, s10;
	s23 =	sshll.u32 s10, $0x6  }
0xa: {  	_ =	strace $0x80000047;
	s9 =	smul.u32 $0xC4000, s4;
	s4 =	ssub.s32 $0x2, s4  }
0xb: {  	s5 =	sshrl.u32 s14, $0x3;
	s7 =	sshrl.u32 s4, $0x1;
	s16 =	sadd.s32 s14, s2  }
0xc: {  	s24 =	sshrl.u32 s8, $0x3;
	s5 =	sadd.s32 s5, s1;
	s6 =	sadd.s32 s14, s9  }
0xd: {  	s12 =	ssub.s32 s4, s7;
	s25 =	sadd.s32 s15, s24;
	s26 =	sor.u32 $0x100, s24  }
0xe: {  	s31 =	sadd.s32 s13, s24;
	s11 =	sshrl.u32 s9, $0x3;
	s24 =	simm.s32 $0x1  }
0xf: {  	s6 =	sshrl.u32 s6, $0x3;
	s22 =	sadd.s32 $0x2200, s5;
	[dreg:$0x5] =	wrdreg s25  }
0x10: {  	s5 =	sor.u32 $0x1C04, s23;
	[dreg:$0x6] =	wrdreg s31;
	s8 =	sadd.s32 s15, s26  }
.Ltmp0:
0x11: {  	s9 =	sadd.s32 s13, s26;
	s10 =	sadd.s32 s0, s11;
	(pc) =	sbr.rel .LBB2_1-.Ltmp0, $4  }
0x12: {  	s12 =	smax.u32 s12, $0x1;
	s13 =	sadd.s32 s14, s13;
	s14 =	sadd.s32 s14, s15  }
0x13: {  	s15 =	sshrl.u32 s16, $0x3;
	s16 =	simm.s32 $0x4;
	s23 =	simm.s32 $0x3000  }
0x14: {  	s25 =	simm.s32 $0x8000;
	s26 =	simm.s32 $0x1800;
	s1 =	sadd.s32 s6, s1  }
0x15: {  	[dreg:$0x4] =	wrdreg s22;
	s22 =	simm.s32 $0x1000;
	s11 =	sadd.s32 $0x1AA00, s1  }
.LBB2_4:
0x16: {  	_ =	swait.ge [sflag:s24], $0x4000  }
0x17: {  	[sflag:s24] =	ssyncset.done $0x0  }
0x18: {  	[sflag:s24] =	ssyncadd.s32 $0xFFFFC000  }
0x19: {  	_ =	swait.ge [sflag:s29], $0x4000  }
0x1a: {  	[sflag:s29] =	ssyncset.done $0x0  }
0x1b: {  	[sflag:s29] =	ssyncadd.s32 $0xFFFFC000  }
0x1c: {  	[spmem:s2] =	stream.indirect.scatter.add.f32 [tilespmem:s25], [sflag:$0x2], $0x8, s28, s18, $0xb8;
	[tilespmem:$0x18400] =	vst v63  }
0x1d: {  	_ =	swait.ge [sflag:s29], $0x4000  }
0x1e: {  	s30 =	sadd.s32 $0x1, s30;
	[sflag:s29] =	ssyncset.done $0x0  }
0x1f: {  	p0 =	sne.s32 s30, s12;
	[sflag:s29] =	ssyncadd.s32 $0xFFFFC000  }
.Ltmp1:
0x20: {  	[bflag:$0x0] =	sbarrier.arrive $0xFFFF;
	(pc) =	sbr.rel @!p0 .LBB2_5-.Ltmp1, $4  }
0x21: {  	[hbm:s11], [sflag:s5] =	dma.local [spmem:s15], $0x1880  }
0x22: {  	_ =	swait.ge [sflag:s16], $0x1880  }
0x23: {  	[sflag:s16] =	ssyncset.done $0x0  }
0x24: {  	[sflag:s16] =	ssyncadd.s32 $0xFFFFE780  }
.LBB2_1:
0x25: {  	s0 =	rddreg [dreg:$0x4]  }
0x26: {  	[spmem:s15], [sflag:s5] =	dma.local [hbm:s0], $0x1880  }
0x27: {  	_ =	swait.ge [sflag:s16], $0x1880  }
0x28: {  	[sflag:s16] =	ssyncset.done $0x0  }
0x29: {  	[sflag:s16] =	ssyncadd.s32 $0xFFFFE780  }
0x2a: {  	[bflag:$0x0] =	sbarrier.arrive $0xFFFF  }
0x2b: {  	s6 =	rddreg [dreg:$0x5]  }
0x2c: {  	[tilespmem:s3], [sflag:$0x3] =	stream.linear.gather [hbm4b:s6+s3], $0x800, $0x38;
	[tilespmem:$0x18400] =	vst v63  }
0x2d: {  	s7 =	rddreg [dreg:$0x6]  }
0x2e: {  	[tilespmem:s17], [sflag:$0x3] =	stream.linear.gather [hbm4b:s7+s3], $0x800, $0x38;
	[tilespmem:$0x18400] =	vst v63  }
0x2f: {  	_ = 	snop  }
0x30: {  	[tilespmem:s18], [sflag:$0x3] =	stream.linear.gather [hbm4b:s8+s3], $0x800, $0x38;
	[tilespmem:$0x18400] =	vst v63  }
0x31: {  	_ = 	snop  }
0x32: {  	[tilespmem:s19], [sflag:$0x3] =	stream.linear.gather [hbm4b:s9+s3], $0x800, $0x38;
	[tilespmem:$0x18400] =	vst v63  }
0x33: {  	_ =	swait.ge [sflag:s20], $0x800  }
0x34: {  	[sflag:s20] =	ssyncset.done $0x0  }
0x35: {  	[sflag:s20] =	ssyncadd.s32 $0xFFFFF800  }
0x36: {  	_ =	swait.ge [sflag:s20], $0x800  }
0x37: {  	[sflag:s20] =	ssyncset.done $0x0  }
0x38: {  	s31 =	simm.s32 $0x0;
	[sflag:s20] =	ssyncadd.s32 $0xFFFFF800  }
0x39: {  	[tilespmem:s21], [sflag:$0x1] =	stream.indirect.gather [hbm4b:s10+s18], $0x8, s3, s18, $0xb8;
	[tilespmem:$0x18400] =	vst v63  }
.LBB2_2:
0x3a: {  	s0 =	sadd.s32 s31, s14  }
0x3b: {  	s1 =	sadd.s32 $0x200, s0  }
0x3c: {  	[tilespmem:s22], [sflag:$0x3] =	stream.linear.gather [hbm4b:s1+s3], $0x800, $0x38;
	[tilespmem:$0x18400] =	vst v63  }
0x3d: {  	s1 =	sadd.s32 s31, s13  }
0x3e: {  	s4 =	sadd.s32 $0x200, s1  }
0x3f: {  	[tilespmem:s23], [sflag:$0x3] =	stream.linear.gather [hbm4b:s4+s3], $0x800, $0x38;
	[tilespmem:$0x18400] =	vst v63  }
0x40: {  	_ =	swait.ge [sflag:s24], $0x4000  }
0x41: {  	p0 =	seq.s32 s31, $0x0;
	[sflag:s24] =	ssyncset.done $0x0  }
0x42: {  	s4 =	simm.s32 @!p0 $0x2;
	[sflag:s24] =	ssyncadd.s32 $0xFFFFC000  }
0x43: {  	_ =	swait.ge @!p0 [sflag:s4], $0x4000  }
0x44: {  	[sflag:s4] =	ssyncset.done @!p0 $0x0  }
0x45: {  	[sflag:s4] =	ssyncadd.s32 @!p0 $0xFFFFC000  }
0x46: {  	_ =	swait.ge [sflag:s20], $0x800  }
0x47: {  	[sflag:s20] =	ssyncset.done $0x0  }
0x48: {  	[sflag:s20] =	ssyncadd.s32 $0xFFFFF800  }
0x49: {  	_ =	swait.ge [sflag:s20], $0x800  }
0x4a: {  	[sflag:s20] =	ssyncset.done $0x0  }
0x4b: {  	[sflag:s20] =	ssyncadd.s32 $0xFFFFF800  }
0x4c: {  	[tilespmem:s25], [sflag:$0x1] =	stream.indirect.gather [hbm4b:s10+s18], $0x8, s18, s18, $0xb8;
	[tilespmem:$0x18400] =	vst v63  }
0x4d: {  	_ = 	snop  }
0x4e: {  	[spmem:s2] =	stream.indirect.scatter.add.f32 [tilespmem:s21], [sflag:$0x2], $0x8, s17, s18, $0xb8;
	[tilespmem:$0x18400] =	vst v63  }
0x4f: {  	s6 =	sadd.s32 $0x300, s0  }
0x50: {  	[tilespmem:s26], [sflag:$0x3] =	stream.linear.gather [hbm4b:s6+s3], $0x800, $0x38;
	[tilespmem:$0x18400] =	vst v63  }
0x51: {  	s7 =	sadd.s32 $0x300, s1  }
0x52: {  	[tilespmem:s28], [sflag:$0x3] =	stream.linear.gather [hbm4b:s7+s3], $0x800, $0x38;
	[tilespmem:$0x18400] =	vst v63  }
0x53: {  	_ =	swait.ge [sflag:s24], $0x4000  }
0x54: {  	[sflag:s24] =	ssyncset.done $0x0  }
0x55: {  	[sflag:s24] =	ssyncadd.s32 $0xFFFFC000  }
0x56: {  	_ =	swait.ge [sflag:s29], $0x4000  }
0x57: {  	[sflag:s29] =	ssyncset.done $0x0  }
0x58: {  	[sflag:s29] =	ssyncadd.s32 $0xFFFFC000  }
0x59: {  	_ =	swait.ge [sflag:s20], $0x800  }
0x5a: {  	[sflag:s20] =	ssyncset.done $0x0  }
0x5b: {  	[sflag:s20] =	ssyncadd.s32 $0xFFFFF800  }
0x5c: {  	_ =	swait.ge [sflag:s20], $0x800  }
0x5d: {  	[sflag:s20] =	ssyncset.done $0x0  }
0x5e: {  	p0 =	seq.s32 s31, $0xC000;
	[sflag:s20] =	ssyncadd.s32 $0xFFFFF800  }
0x5f: {  	[tilespmem:s21], [sflag:$0x1] =	stream.indirect.gather [hbm4b:s10+s18], $0x8, s22, s18, $0xb8;
	[tilespmem:$0x18400] =	vst v63  }
0x60: {  	s4 =	sadd.s32 @!p0 s31, s14  }
0x61: {  	[spmem:s2] =	stream.indirect.scatter.add.f32 [tilespmem:s25], [sflag:$0x2], $0x8, s19, s18, $0xb8;
	[tilespmem:$0x18400] =	vst v63  }
0x62: {  	s4 =	sadd.s32 @!p0 $0x400, s4;
	s6 =	simm.s32 @!p0 $0x0  }
0x63: {  	[tilespmem:s6], [sflag:$0x3] =	stream.linear.gather @!p0 [hbm4b:s4+s6], $0x800, $0x38;
	[tilespmem:$0x18400] =	vst v63  }
0x64: {  	s4 =	sadd.s32 @!p0 s31, s13  }
0x65: {  	s7 =	simm.s32 @!p0 $0x2000;
	s4 =	sadd.s32 @!p0 $0x400, s4  }
0x66: {  	[tilespmem:s7], [sflag:$0x3] =	stream.linear.gather @!p0 [hbm4b:s4+s6], $0x800, $0x38;
	[tilespmem:$0x18400] =	vst v63  }
0x67: {  	_ =	swait.ge [sflag:s24], $0x4000  }
0x68: {  	[sflag:s24] =	ssyncset.done $0x0  }
0x69: {  	[sflag:s24] =	ssyncadd.s32 $0xFFFFC000  }
0x6a: {  	_ =	swait.ge [sflag:s29], $0x4000  }
0x6b: {  	[sflag:s29] =	ssyncset.done $0x0  }
0x6c: {  	[sflag:s29] =	ssyncadd.s32 $0xFFFFC000  }
0x6d: {  	_ =	swait.ge [sflag:s20], $0x800  }
0x6e: {  	[sflag:s20] =	ssyncset.done $0x0  }
0x6f: {  	[sflag:s20] =	ssyncadd.s32 $0xFFFFF800  }
0x70: {  	_ =	swait.ge [sflag:s20], $0x800  }
.Ltmp2:
0x71: {  	[sflag:s20] =	ssyncset.done $0x0;
	(pc) =	sbr.rel @p0 .LBB2_4-.Ltmp2, $4  }
0x72: {  	[sflag:s20] =	ssyncadd.s32 $0xFFFFF800  }
0x73: {  	[tilespmem:s25], [sflag:$0x1] =	stream.indirect.gather [hbm4b:s10+s18], $0x8, s26, s18, $0xb8;
	[tilespmem:$0x18400] =	vst v63  }
0x74: {  	_ = 	snop  }
0x75: {  	[spmem:s2] =	stream.indirect.scatter.add.f32 [tilespmem:s21], [sflag:$0x2], $0x8, s23, s18, $0xb8;
	[tilespmem:$0x18400] =	vst v63  }
0x76: {  	s0 =	sadd.s32 $0x500, s0  }
0x77: {  	[tilespmem:s18], [sflag:$0x3] =	stream.linear.gather [hbm4b:s0+s3], $0x800, $0x38;
	[tilespmem:$0x18400] =	vst v63  }
0x78: {  	s7 =	sadd.s32 $0x500, s1  }
0x79: {  	[tilespmem:s19], [sflag:$0x3] =	stream.linear.gather [hbm4b:s7+s3], $0x800, $0x38;
	[tilespmem:$0x18400] =	vst v63  }
0x7a: {  	_ =	swait.ge [sflag:s24], $0x4000  }
0x7b: {  	[sflag:s24] =	ssyncset.done $0x0  }
0x7c: {  	[sflag:s24] =	ssyncadd.s32 $0xFFFFC000  }
0x7d: {  	_ =	swait.ge [sflag:s29], $0x4000  }
0x7e: {  	[sflag:s29] =	ssyncset.done $0x0  }
0x7f: {  	[sflag:s29] =	ssyncadd.s32 $0xFFFFC000  }
0x80: {  	_ =	swait.ge [sflag:s20], $0x800  }
0x81: {  	[sflag:s20] =	ssyncset.done $0x0  }
0x82: {  	[sflag:s20] =	ssyncadd.s32 $0xFFFFF800  }
0x83: {  	_ =	swait.ge [sflag:s20], $0x800  }
.Ltmp3:
0x84: {  	[sflag:s20] =	ssyncset.done $0x0;
	(pc) =	sbr.rel .LBB2_2-.Ltmp3, $4  }
0x85: {  	[sflag:s20] =	ssyncadd.s32 $0xFFFFF800  }
0x86: {  	[tilespmem:s21], [sflag:$0x1] =	stream.indirect.gather [hbm4b:s10+s18], $0x8, s3, s18, $0xb8;
	[tilespmem:$0x18400] =	vst v63  }
0x87: {  	s31 =	sadd.s32 $0x400, s31  }
0x88: {  	[spmem:s2] =	stream.indirect.scatter.add.f32 [tilespmem:s25], [sflag:$0x2], $0x8, s28, s18, $0xb8;
	[tilespmem:$0x18400] =	vst v63  }
.LBB2_5:
0x89: {  	_ =	sfence.sel $0x180000  }
0x8a: {  	[bflag:$0x0] =	sbarrier.arrive $0xFFFF  }
0x8b: {  	_ =	strace $0x90000047  }
0x8c: {  	s0 =	stileid.u32;
	[bflag:$0x2] =	sbarrier.arrive $0xFFFF  }
0x8d: {  	p0 =	sne.s32 s0, $0x0;
	s0 =	rddreg [dreg:$0x3]  }
0x8e: {  	s0 =	sadd.s32 @!p0 $0x100000, s0  }
0x8f: {  	[sflag:s0] =	ssyncadd.tile.s32 @!p0 $0x1;
	_ =	shalt  }
.Lfunc_end2:
_tile_overlayer_lowered:
.L_overlay_start_2:
0x90: {  	(tag) =	ssettag $0x2  }
0x91: {  	s0 =	rddreg [dreg:$0x0];
	s2 =	stileid.u32  }
0x92: {  	s1 =	rddreg [dreg:$0x1];
	p0 =	sne.s32 s2, $0x0  }
0x93: {  	s3 =	rddreg [dreg:$0x2];
	[bflag:$0x3] =	sbarrier.arrive $0xFFFF;
	s2 =	simm.s32 @!p0 $0x1C04  }
0x94: {  	[timem:s3], [sflag:s2] =	dma.local @!p0 [hbm:s0], s1  }
0x95: {  	s0 =	simm.s32 @!p0 $0x4  }
0x96: {  	_ =	swait.ge @!p0 [sflag:s0], s1  }
0x97: {  	s1 =	ssub.s32 @!p0 $0x0, s1;
	[sflag:s0] =	ssyncset.done @!p0 $0x0  }
0x98: {  	[sflag:s0] =	ssyncadd.s32 @!p0 s1  }
0x99: {  	[bflag:$0x3] =	sbarrier.arrive $0xFFFF  }
0x9a: {  	_ =	shalt  }

</sc_bundles>
